<compile_context>
chip_gen: v7x
topology: tpu7x:2x2x1
jax: 0.10.2.dev20260603
libtpu: 0.0.44.dev20260713+nightly
codegen_flags: <defaults>
</compile_context>

<pallas_src>
import functools

import jax
import jax.numpy as jnp
from jax import lax
from jax.experimental import pallas as pl
from jax.experimental.pallas import tpu as pltpu
from jax.experimental.pallas import tpu_sc as plsc

_B, _L, _D = 4096, 200, 64
_NW = 32
_SEQ_PER_W = _B // _NW
_R = 4
_GATHER_CHUNKS = ((0, 128), (128, 72))


def _gathers(i_local, tok_hbm, idx_v, rows_v, gsem):
    base = i_local * _L
    return [
        pltpu.make_async_copy(
            tok_hbm.at[idx_v.at[pl.ds(base + off, sz)]],
            rows_v.at[pl.ds(off, sz)],
            gsem,
        )
        for off, sz in _GATHER_CHUNKS
    ]


def _emb_body(ids_hbm, tok_hbm, pos_hbm, out_hbm,
              idx_v, pos_v, rows, gsems, ssems):
    wid = lax.axis_index("s") * 2 + lax.axis_index("c")
    base = wid * (_SEQ_PER_W * _L)

    pltpu.sync_copy(ids_hbm.at[pl.ds(base, _SEQ_PER_W * _L)], idx_v)
    pltpu.sync_copy(pos_hbm.at[pl.ds(0, _L)], pos_v)

    def fire_gather(i_local, slot):
        for d in _gathers(i_local, tok_hbm, idx_v, rows[slot], gsems[slot]):
            d.start()

    def wait_gather(i_local, slot):
        for d in _gathers(i_local, tok_hbm, idx_v, rows[slot], gsems[slot]):
            d.wait()

    def add_and_store(i_local, slot):
        rows_v = rows[slot]

        @plsc.parallel_loop(0, _L, unroll=4)
        def _(r):
            for c in range(_D // 32):
                sl = pl.ds(c * 32, 32)
                rows_v[r, sl] = rows_v[r, sl] + pos_v[r, sl]

        pltpu.make_async_copy(
            rows_v, out_hbm.at[pl.ds(base + i_local * _L, _L)], ssems[slot]
        ).start()

    def wait_store(i_local, slot):
        pltpu.make_async_copy(
            rows[slot], out_hbm.at[pl.ds(base + i_local * _L, _L)], ssems[slot]
        ).wait()

    fire_gather(0, 0)
    fire_gather(1, 1)
    fire_gather(2, 2)
    wait_gather(0, 0)
    add_and_store(0, 0)
    fire_gather(3, 3)
    wait_gather(1, 1)
    add_and_store(1, 1)

    def group_body(g, carry):
        i0 = 2 + 4 * g
        for b in range(4):
            i = i0 + b
            s = (2 + b) % 4
            wait_store(i - 2, b)
            fire_gather(i + 2, b)
            wait_gather(i, s)
            add_and_store(i, s)
        return carry

    lax.fori_loop(0, (_SEQ_PER_W - 4) // 4, group_body, 0)

    wait_gather(_SEQ_PER_W - 2, 2)
    add_and_store(_SEQ_PER_W - 2, 2)
    wait_gather(_SEQ_PER_W - 1, 3)
    add_and_store(_SEQ_PER_W - 1, 3)
    for s, i in ((0, 124), (1, 125), (2, 126), (3, 127)):
        wait_store(i, s)


_emb_kernel = functools.partial(
    pl.kernel,
    out_type=jax.ShapeDtypeStruct((_B * _L, _D), jnp.float32),
    mesh=plsc.VectorSubcoreMesh(core_axis_name="c", subcore_axis_name="s"),
    compiler_params=pltpu.CompilerParams(use_tc_tiling_on_sc=False),
    scratch_types=[
        pltpu.VMEM((_SEQ_PER_W * _L,), jnp.int32),
        pltpu.VMEM((_L, _D), jnp.float32),
        [pltpu.VMEM((_L, _D), jnp.float32) for _ in range(_R)],
        [pltpu.SemaphoreType.DMA for _ in range(_R)],
        [pltpu.SemaphoreType.DMA for _ in range(_R)],
    ],
)(_emb_body)


def kernel(input_ids, token_table, pos_table):
    ids_flat = input_ids.reshape(-1).astype(jnp.int32)
    out = _emb_kernel(ids_flat, token_table, pos_table)
    return out.reshape(_B, _L, _D)

# --- scband reference (transcript-rebuilt; emitter-appended) ---
"""Pipeline reference for scband-embeddings-7799660610197 (READ-ONLY COPY).

The authoritative reference and input builder live on the scoring server;
editing this copy changes nothing except your own understanding.
"""

import jax, jax.numpy as jnp
import numpy as np

VOCAB_SIZE = 1000000
EMBED_DIM = 64
PAD_IDX = 0
MAX_SEQ_LEN = 2048


def setup_inputs(seed: int = 0) -> dict:
    key = jax.random.key(seed)
    k1, k2, k3 = jax.random.split(key, 3)
    input_ids = jax.random.randint(k1, (4096, 200), 0, VOCAB_SIZE, dtype=jnp.int64 if jax.config.jax_enable_x64 else jnp.int32)
    token_table = jax.random.normal(k2, (VOCAB_SIZE, EMBED_DIM), dtype=jnp.float32) * 0.02
    # padding_idx row is zero-initialized in torch nn.Embedding
    token_table = token_table.at[PAD_IDX].set(0.0)
    pos_table = jax.random.normal(k3, (MAX_SEQ_LEN, EMBED_DIM), dtype=jnp.float32) * 0.02
    return {"input_ids": input_ids, "token_table": token_table, "pos_table": pos_table}


def reference(input_ids, token_table, pos_table):
    B, L = input_ids.shape
    # token embedding lookup (gather); padding_idx rows contribute zeros
    tok = jnp.take(token_table, input_ids, axis=0)
    pad_mask = (input_ids != PAD_IDX)[..., None].astype(tok.dtype)
    tok = tok * pad_mask
    # positional embedding lookup
    positions = jnp.arange(L)
    pos = jnp.take(pos_table, positions, axis=0)
    out = tok + pos[None, :, :]
    return out

if __name__ == "__main__":
    import jax
    _d = setup_inputs()
    print(jax.jit(kernel)(*tuple(_d.values())))

</pallas_src>

<mosaic_0001>
#map = affine_map<(d0, d1) -> (0)>
#map1 = affine_map<(d0, d1) -> (0, 0)>
module attributes {stable_mosaic.version = 14 : i64} {
  func.func @_emb_body(%arg0: i32, %arg1: i32, %arg2: memref<819200xi32, #tpu.memory_space<hbm>>, %arg3: memref<1000000x64xf32, #tpu.memory_space<hbm>>, %arg4: memref<2048x64xf32, #tpu.memory_space<hbm>>, %arg5: memref<819200x64xf32, #tpu.memory_space<hbm>>, %arg6: memref<25600xi32, #tpu.memory_space<vmem>>, %arg7: memref<200x64xf32, #tpu.memory_space<vmem>>, %arg8: memref<200x64xf32, #tpu.memory_space<vmem>>, %arg9: memref<200x64xf32, #tpu.memory_space<vmem>>, %arg10: memref<200x64xf32, #tpu.memory_space<vmem>>, %arg11: memref<200x64xf32, #tpu.memory_space<vmem>>, %arg12: memref<!tpu.dma_semaphore, #tpu.memory_space<semaphore_mem>>, %arg13: memref<!tpu.dma_semaphore, #tpu.memory_space<semaphore_mem>>, %arg14: memref<!tpu.dma_semaphore, #tpu.memory_space<semaphore_mem>>, %arg15: memref<!tpu.dma_semaphore, #tpu.memory_space<semaphore_mem>>, %arg16: memref<!tpu.dma_semaphore, #tpu.memory_space<semaphore_mem>>, %arg17: memref<!tpu.dma_semaphore, #tpu.memory_space<semaphore_mem>>, %arg18: memref<!tpu.dma_semaphore, #tpu.memory_space<semaphore_mem>>, %arg19: memref<!tpu.dma_semaphore, #tpu.memory_space<semaphore_mem>>) attributes {dimension_semantics = [#tpu.dimension_semantics<core_parallel>, #tpu.dimension_semantics<subcore_parallel>], iteration_bounds = array<i64: 2, 16>, scalar_prefetch = 0 : i64, scratch_operands = 14 : i64, tpu.core_type = #tpu.core_type<sc_vector_subcore>, window_params = [{transform_indices = #map}, {transform_indices = #map1}, {transform_indices = #map1}, {transform_indices = #map1}]} {
    %mul3A = arith.constant 2 : i32
    %mul3A_0 = arith.muli %arg1, %mul3A : i32
    %add3A = arith.addi %mul3A_0, %arg0 : i32
    %mul3A_1 = arith.constant 25600 : i32
    %mul3A_2 = arith.muli %add3A, %mul3A_1 : i32
    "tpu.region"() ({
      %run_scoped3A = tpu.sem_alloc : memref<!tpu.dma_semaphore, #tpu.memory_space<semaphore_mem>>
      %dma_start3A_193 = tpu.memref_slice %arg2[%mul3A_2] : memref<819200xi32, #tpu.memory_space<hbm>> -> memref<25600xi32, #tpu.memory_space<hbm>>
      %dma_start3A_194 = tpu.memref_slice %arg2[%mul3A_2] : memref<819200xi32, #tpu.memory_space<hbm>> -> memref<25600xi32, #tpu.memory_space<hbm>>
      tpu.enqueue_dma source(%dma_start3A_194 : memref<25600xi32, #tpu.memory_space<hbm>>) target(%arg6 : memref<25600xi32, #tpu.memory_space<vmem>>) target_semaphore(%run_scoped3A : memref<!tpu.dma_semaphore, #tpu.memory_space<semaphore_mem>>)
      %dma_wait3A_195 = tpu.memref_slice %arg2[%mul3A_2] : memref<819200xi32, #tpu.memory_space<hbm>> -> memref<25600xi32, #tpu.memory_space<hbm>>
      %dma_wait3A_196 = tpu.memref_slice %arg2[%mul3A_2] : memref<819200xi32, #tpu.memory_space<hbm>> -> memref<25600xi32, #tpu.memory_space<hbm>>
      tpu.wait_dma2 semaphore(%run_scoped3A : memref<!tpu.dma_semaphore, #tpu.memory_space<semaphore_mem>>) src(%dma_wait3A_196 : memref<25600xi32, #tpu.memory_space<hbm>>) dst(%arg6 : memref<25600xi32, #tpu.memory_space<vmem>>)
      tpu.yield
    }) : () -> ()
    "tpu.region"() ({
      %run_scoped3A = tpu.sem_alloc : memref<!tpu.dma_semaphore, #tpu.memory_space<semaphore_mem>>
      %dma_start3A_193 = arith.constant 0 : i32
      %dma_start3A_194 = arith.constant 0 : i32
      %dma_start3A_195 = tpu.memref_slice %arg4[%dma_start3A_193, %dma_start3A_194] : memref<2048x64xf32, #tpu.memory_space<hbm>> -> memref<200x64xf32, #tpu.memory_space<hbm>>
      %dma_start3A_196 = arith.constant 0 : i32
      %dma_start3A_197 = arith.constant 0 : i32
      %dma_start3A_198 = tpu.memref_slice %arg4[%dma_start3A_196, %dma_start3A_197] : memref<2048x64xf32, #tpu.memory_space<hbm>> -> memref<200x64xf32, #tpu.memory_space<hbm>>
      tpu.enqueue_dma source(%dma_start3A_198 : memref<200x64xf32, #tpu.memory_space<hbm>>) target(%arg7 : memref<200x64xf32, #tpu.memory_space<vmem>>) target_semaphore(%run_scoped3A : memref<!tpu.dma_semaphore, #tpu.memory_space<semaphore_mem>>)
      %dma_wait3A_199 = arith.constant 0 : i32
      %dma_wait3A_200 = arith.constant 0 : i32
      %dma_wait3A_201 = tpu.memref_slice %arg4[%dma_wait3A_199, %dma_wait3A_200] : memref<2048x64xf32, #tpu.memory_space<hbm>> -> memref<200x64xf32, #tpu.memory_space<hbm>>
      %dma_wait3A_202 = arith.constant 0 : i32
      %dma_wait3A_203 = arith.constant 0 : i32
      %dma_wait3A_204 = tpu.memref_slice %arg4[%dma_wait3A_202, %dma_wait3A_203] : memref<2048x64xf32, #tpu.memory_space<hbm>> -> memref<200x64xf32, #tpu.memory_space<hbm>>
      tpu.wait_dma2 semaphore(%run_scoped3A : memref<!tpu.dma_semaphore, #tpu.memory_space<semaphore_mem>>) src(%dma_wait3A_204 : memref<200x64xf32, #tpu.memory_space<hbm>>) dst(%arg7 : memref<200x64xf32, #tpu.memory_space<vmem>>)
      tpu.yield
    }) : () -> ()
    %dma_start3A = arith.constant 0 : i32
    %dma_start3A_3 = arith.constant 0 : i32
    %dma_start3A_4 = tpu.memref_slice %arg8[%dma_start3A, %dma_start3A_3] : memref<200x64xf32, #tpu.memory_space<vmem>> -> memref<128x64xf32, #tpu.memory_space<vmem>>
    %dma_start3A_5 = arith.constant 0 : i32
    %dma_start3A_6 = tpu.memref_slice %arg6[%dma_start3A_5] : memref<25600xi32, #tpu.memory_space<vmem>> -> memref<128xi32, #tpu.memory_space<vmem>>
    %dma_start3A_7 = arith.constant 0 : i32
    %dma_start3A_8 = arith.constant 0 : i32
    %dma_start3A_9 = tpu.memref_slice %arg3[%dma_start3A_7, %dma_start3A_8] : memref<1000000x64xf32, #tpu.memory_space<hbm>> -> memref<1000000x64xf32, #tpu.memory_space<hbm>>
    tpu.enqueue_indirect_dma source(%dma_start3A_9 : memref<1000000x64xf32, #tpu.memory_space<hbm>>) target(%dma_start3A_4 : memref<128x64xf32, #tpu.memory_space<vmem>>) offsets(%dma_start3A_6 : memref<128xi32, #tpu.memory_space<vmem>>) semaphore(%arg12 : memref<!tpu.dma_semaphore, #tpu.memory_space<semaphore_mem>>)
    %dma_start3A_10 = arith.constant 128 : i32
    %dma_start3A_11 = arith.constant 0 : i32
    %dma_start3A_12 = tpu.memref_slice %arg8[%dma_start3A_10, %dma_start3A_11] : memref<200x64xf32, #tpu.memory_space<vmem>> -> memref<72x64xf32, #tpu.memory_space<vmem>>
    %dma_start3A_13 = arith.constant 128 : i32
    %dma_start3A_14 = tpu.memref_slice %arg6[%dma_start3A_13] : memref<25600xi32, #tpu.memory_space<vmem>> -> memref<72xi32, #tpu.memory_space<vmem>>
    %dma_start3A_15 = arith.constant 0 : i32
    %dma_start3A_16 = arith.constant 0 : i32
    %dma_start3A_17 = tpu.memref_slice %arg3[%dma_start3A_15, %dma_start3A_16] : memref<1000000x64xf32, #tpu.memory_space<hbm>> -> memref<1000000x64xf32, #tpu.memory_space<hbm>>
    tpu.enqueue_indirect_dma source(%dma_start3A_17 : memref<1000000x64xf32, #tpu.memory_space<hbm>>) target(%dma_start3A_12 : memref<72x64xf32, #tpu.memory_space<vmem>>) offsets(%dma_start3A_14 : memref<72xi32, #tpu.memory_space<vmem>>) semaphore(%arg12 : memref<!tpu.dma_semaphore, #tpu.memory_space<semaphore_mem>>)
    %dma_start3A_18 = arith.constant 0 : i32
    %dma_start3A_19 = arith.constant 0 : i32
    %dma_start3A_20 = tpu.memref_slice %arg9[%dma_start3A_18, %dma_start3A_19] : memref<200x64xf32, #tpu.memory_space<vmem>> -> memref<128x64xf32, #tpu.memory_space<vmem>>
    %dma_start3A_21 = arith.constant 200 : i32
    %dma_start3A_22 = tpu.memref_slice %arg6[%dma_start3A_21] : memref<25600xi32, #tpu.memory_space<vmem>> -> memref<128xi32, #tpu.memory_space<vmem>>
    %dma_start3A_23 = arith.constant 0 : i32
    %dma_start3A_24 = arith.constant 0 : i32
    %dma_start3A_25 = tpu.memref_slice %arg3[%dma_start3A_23, %dma_start3A_24] : memref<1000000x64xf32, #tpu.memory_space<hbm>> -> memref<1000000x64xf32, #tpu.memory_space<hbm>>
    tpu.enqueue_indirect_dma source(%dma_start3A_25 : memref<1000000x64xf32, #tpu.memory_space<hbm>>) target(%dma_start3A_20 : memref<128x64xf32, #tpu.memory_space<vmem>>) offsets(%dma_start3A_22 : memref<128xi32, #tpu.memory_space<vmem>>) semaphore(%arg13 : memref<!tpu.dma_semaphore, #tpu.memory_space<semaphore_mem>>)
    %dma_start3A_26 = arith.constant 128 : i32
    %dma_start3A_27 = arith.constant 0 : i32
    %dma_start3A_28 = tpu.memref_slice %arg9[%dma_start3A_26, %dma_start3A_27] : memref<200x64xf32, #tpu.memory_space<vmem>> -> memref<72x64xf32, #tpu.memory_space<vmem>>
    %dma_start3A_29 = arith.constant 328 : i32
    %dma_start3A_30 = tpu.memref_slice %arg6[%dma_start3A_29] : memref<25600xi32, #tpu.memory_space<vmem>> -> memref<72xi32, #tpu.memory_space<vmem>>
    %dma_start3A_31 = arith.constant 0 : i32
    %dma_start3A_32 = arith.constant 0 : i32
    %dma_start3A_33 = tpu.memref_slice %arg3[%dma_start3A_31, %dma_start3A_32] : memref<1000000x64xf32, #tpu.memory_space<hbm>> -> memref<1000000x64xf32, #tpu.memory_space<hbm>>
    tpu.enqueue_indirect_dma source(%dma_start3A_33 : memref<1000000x64xf32, #tpu.memory_space<hbm>>) target(%dma_start3A_28 : memref<72x64xf32, #tpu.memory_space<vmem>>) offsets(%dma_start3A_30 : memref<72xi32, #tpu.memory_space<vmem>>) semaphore(%arg13 : memref<!tpu.dma_semaphore, #tpu.memory_space<semaphore_mem>>)
    %dma_start3A_34 = arith.constant 0 : i32
    %dma_start3A_35 = arith.constant 0 : i32
    %dma_start3A_36 = tpu.memref_slice %arg10[%dma_start3A_34, %dma_start3A_35] : memref<200x64xf32, #tpu.memory_space<vmem>> -> memref<128x64xf32, #tpu.memory_space<vmem>>
    %dma_start3A_37 = arith.constant 400 : i32
    %dma_start3A_38 = tpu.memref_slice %arg6[%dma_start3A_37] : memref<25600xi32, #tpu.memory_space<vmem>> -> memref<128xi32, #tpu.memory_space<vmem>>
    %dma_start3A_39 = arith.constant 0 : i32
    %dma_start3A_40 = arith.constant 0 : i32
    %dma_start3A_41 = tpu.memref_slice %arg3[%dma_start3A_39, %dma_start3A_40] : memref<1000000x64xf32, #tpu.memory_space<hbm>> -> memref<1000000x64xf32, #tpu.memory_space<hbm>>
    tpu.enqueue_indirect_dma source(%dma_start3A_41 : memref<1000000x64xf32, #tpu.memory_space<hbm>>) target(%dma_start3A_36 : memref<128x64xf32, #tpu.memory_space<vmem>>) offsets(%dma_start3A_38 : memref<128xi32, #tpu.memory_space<vmem>>) semaphore(%arg14 : memref<!tpu.dma_semaphore, #tpu.memory_space<semaphore_mem>>)
    %dma_start3A_42 = arith.constant 128 : i32
    %dma_start3A_43 = arith.constant 0 : i32
    %dma_start3A_44 = tpu.memref_slice %arg10[%dma_start3A_42, %dma_start3A_43] : memref<200x64xf32, #tpu.memory_space<vmem>> -> memref<72x64xf32, #tpu.memory_space<vmem>>
    %dma_start3A_45 = arith.constant 528 : i32
    %dma_start3A_46 = tpu.memref_slice %arg6[%dma_start3A_45] : memref<25600xi32, #tpu.memory_space<vmem>> -> memref<72xi32, #tpu.memory_space<vmem>>
    %dma_start3A_47 = arith.constant 0 : i32
    %dma_start3A_48 = arith.constant 0 : i32
    %dma_start3A_49 = tpu.memref_slice %arg3[%dma_start3A_47, %dma_start3A_48] : memref<1000000x64xf32, #tpu.memory_space<hbm>> -> memref<1000000x64xf32, #tpu.memory_space<hbm>>
    tpu.enqueue_indirect_dma source(%dma_start3A_49 : memref<1000000x64xf32, #tpu.memory_space<hbm>>) target(%dma_start3A_44 : memref<72x64xf32, #tpu.memory_space<vmem>>) offsets(%dma_start3A_46 : memref<72xi32, #tpu.memory_space<vmem>>) semaphore(%arg14 : memref<!tpu.dma_semaphore, #tpu.memory_space<semaphore_mem>>)
    %dma_wait3A = arith.constant 0 : i32
    %dma_wait3A_50 = arith.constant 0 : i32
    %dma_wait3A_51 = tpu.memref_slice %arg8[%dma_wait3A, %dma_wait3A_50] : memref<200x64xf32, #tpu.memory_space<vmem>> -> memref<128x64xf32, #tpu.memory_space<vmem>>
    %dma_wait3A_52 = arith.constant 0 : i32
    %dma_wait3A_53 = tpu.memref_slice %arg6[%dma_wait3A_52] : memref<25600xi32, #tpu.memory_space<vmem>> -> memref<128xi32, #tpu.memory_space<vmem>>
    %dma_wait3A_54 = arith.constant 0 : i32
    %dma_wait3A_55 = arith.constant 0 : i32
    %dma_wait3A_56 = tpu.memref_slice %arg3[%dma_wait3A_54, %dma_wait3A_55] : memref<1000000x64xf32, #tpu.memory_space<hbm>> -> memref<1000000x64xf32, #tpu.memory_space<hbm>>
    tpu.wait_indirect_dma semaphore(%arg12 : memref<!tpu.dma_semaphore, #tpu.memory_space<semaphore_mem>>) src(%dma_wait3A_56 : memref<1000000x64xf32, #tpu.memory_space<hbm>>) dst(%dma_wait3A_51 : memref<128x64xf32, #tpu.memory_space<vmem>>)
    %dma_wait3A_57 = arith.constant 128 : i32
    %dma_wait3A_58 = arith.constant 0 : i32
    %dma_wait3A_59 = tpu.memref_slice %arg8[%dma_wait3A_57, %dma_wait3A_58] : memref<200x64xf32, #tpu.memory_space<vmem>> -> memref<72x64xf32, #tpu.memory_space<vmem>>
    %dma_wait3A_60 = arith.constant 128 : i32
    %dma_wait3A_61 = tpu.memref_slice %arg6[%dma_wait3A_60] : memref<25600xi32, #tpu.memory_space<vmem>> -> memref<72xi32, #tpu.memory_space<vmem>>
    %dma_wait3A_62 = arith.constant 0 : i32
    %dma_wait3A_63 = arith.constant 0 : i32
    %dma_wait3A_64 = tpu.memref_slice %arg3[%dma_wait3A_62, %dma_wait3A_63] : memref<1000000x64xf32, #tpu.memory_space<hbm>> -> memref<1000000x64xf32, #tpu.memory_space<hbm>>
    tpu.wait_indirect_dma semaphore(%arg12 : memref<!tpu.dma_semaphore, #tpu.memory_space<semaphore_mem>>) src(%dma_wait3A_64 : memref<1000000x64xf32, #tpu.memory_space<hbm>>) dst(%dma_wait3A_59 : memref<72x64xf32, #tpu.memory_space<vmem>>)
    %parallel_loop3A = arith.constant 0 : i32
    %parallel_loop3A_65 = arith.constant 200 : i32
    %parallel_loop3A_66 = arith.constant 1 : i32
    scf.for %parallel_loop3A_193 = %parallel_loop3A to %parallel_loop3A_65 step %parallel_loop3A_66  : i32 {
      %parallel_loop3A_194 = arith.index_cast %parallel_loop3A_193 : i32 to index
      %parallel_loop3A_195 = arith.constant 0 : index
      %parallel_loop3A_196 = tpu.vector_load %arg8[%parallel_loop3A_194, %parallel_loop3A_195] {strides = array<i32>} : memref<200x64xf32, #tpu.memory_space<vmem>>, vector<1x32xf32>,
      %parallel_loop3A_197 = vector.shape_cast %parallel_loop3A_196 : vector<1x32xf32> to vector<32xf32>
      %parallel_loop3A_198 = arith.index_cast %parallel_loop3A_193 : i32 to index
      %parallel_loop3A_199 = arith.constant 0 : index
      %parallel_loop3A_200 = tpu.vector_load %arg7[%parallel_loop3A_198, %parallel_loop3A_199] {strides = array<i32>} : memref<200x64xf32, #tpu.memory_space<vmem>>, vector<1x32xf32>,
      %parallel_loop3A_201 = vector.shape_cast %parallel_loop3A_200 : vector<1x32xf32> to vector<32xf32>
      %parallel_loop3A_202 = arith.addf %parallel_loop3A_197, %parallel_loop3A_201 : vector<32xf32>
      %parallel_loop3A_203 = arith.index_cast %parallel_loop3A_193 : i32 to index
      %parallel_loop3A_204 = arith.constant 0 : index
      %parallel_loop3A_205 = tpu.vector_load %arg8[%parallel_loop3A_203, %parallel_loop3A_204] {strides = array<i32>} : memref<200x64xf32, #tpu.memory_space<vmem>>, vector<1x32xf32>,
      %parallel_loop3A_206 = vector.shape_cast %parallel_loop3A_205 : vector<1x32xf32> to vector<32xf32>
      %parallel_loop3A_207 = vector.shape_cast %parallel_loop3A_202 : vector<32xf32> to vector<1x32xf32>
      tpu.vector_store %arg8[%parallel_loop3A_203, %parallel_loop3A_204], %parallel_loop3A_207 {strides = array<i32>} : memref<200x64xf32, #tpu.memory_space<vmem>>, vector<1x32xf32>,
      %parallel_loop3A_208 = arith.index_cast %parallel_loop3A_193 : i32 to index
      %parallel_loop3A_209 = arith.constant 32 : index
      %parallel_loop3A_210 = tpu.vector_load %arg8[%parallel_loop3A_208, %parallel_loop3A_209] {strides = array<i32>} : memref<200x64xf32, #tpu.memory_space<vmem>>, vector<1x32xf32>,
      %parallel_loop3A_211 = vector.shape_cast %parallel_loop3A_210 : vector<1x32xf32> to vector<32xf32>
      %parallel_loop3A_212 = arith.index_cast %parallel_loop3A_193 : i32 to index
      %parallel_loop3A_213 = arith.constant 32 : index
      %parallel_loop3A_214 = tpu.vector_load %arg7[%parallel_loop3A_212, %parallel_loop3A_213] {strides = array<i32>} : memref<200x64xf32, #tpu.memory_space<vmem>>, vector<1x32xf32>,
      %parallel_loop3A_215 = vector.shape_cast %parallel_loop3A_214 : vector<1x32xf32> to vector<32xf32>
      %parallel_loop3A_216 = arith.addf %parallel_loop3A_211, %parallel_loop3A_215 : vector<32xf32>
      %parallel_loop3A_217 = arith.index_cast %parallel_loop3A_193 : i32 to index
      %parallel_loop3A_218 = arith.constant 32 : index
      %parallel_loop3A_219 = tpu.vector_load %arg8[%parallel_loop3A_217, %parallel_loop3A_218] {strides = array<i32>} : memref<200x64xf32, #tpu.memory_space<vmem>>, vector<1x32xf32>,
      %parallel_loop3A_220 = vector.shape_cast %parallel_loop3A_219 : vector<1x32xf32> to vector<32xf32>
      %parallel_loop3A_221 = vector.shape_cast %parallel_loop3A_216 : vector<32xf32> to vector<1x32xf32>
      tpu.vector_store %arg8[%parallel_loop3A_217, %parallel_loop3A_218], %parallel_loop3A_221 {strides = array<i32>} : memref<200x64xf32, #tpu.memory_space<vmem>>, vector<1x32xf32>,
    } {sc.loop_unroll_factor = 4 : i64, sc.parallel_access}
    %add3A_67 = arith.constant 0 : i32
    %add3A_68 = arith.addi %mul3A_2, %add3A_67 : i32
    %dma_start3A_69 = arith.constant 0 : i32
    %dma_start3A_70 = tpu.memref_slice %arg5[%add3A_68, %dma_start3A_69] : memref<819200x64xf32, #tpu.memory_space<hbm>> -> memref<200x64xf32, #tpu.memory_space<hbm>>
    %dma_start3A_71 = arith.constant 0 : i32
    %dma_start3A_72 = tpu.memref_slice %arg5[%add3A_68, %dma_start3A_71] : memref<819200x64xf32, #tpu.memory_space<hbm>> -> memref<200x64xf32, #tpu.memory_space<hbm>>
    tpu.enqueue_dma source(%arg8 : memref<200x64xf32, #tpu.memory_space<vmem>>) target(%dma_start3A_72 : memref<200x64xf32, #tpu.memory_space<hbm>>) target_semaphore(%arg16 : memref<!tpu.dma_semaphore, #tpu.memory_space<semaphore_mem>>)
    %dma_start3A_73 = arith.constant 0 : i32
    %dma_start3A_74 = arith.constant 0 : i32
    %dma_start3A_75 = tpu.memref_slice %arg11[%dma_start3A_73, %dma_start3A_74] : memref<200x64xf32, #tpu.memory_space<vmem>> -> memref<128x64xf32, #tpu.memory_space<vmem>>
    %dma_start3A_76 = arith.constant 600 : i32
    %dma_start3A_77 = tpu.memref_slice %arg6[%dma_start3A_76] : memref<25600xi32, #tpu.memory_space<vmem>> -> memref<128xi32, #tpu.memory_space<vmem>>
    %dma_start3A_78 = arith.constant 0 : i32
    %dma_start3A_79 = arith.constant 0 : i32
    %dma_start3A_80 = tpu.memref_slice %arg3[%dma_start3A_78, %dma_start3A_79] : memref<1000000x64xf32, #tpu.memory_space<hbm>> -> memref<1000000x64xf32, #tpu.memory_space<hbm>>
    tpu.enqueue_indirect_dma source(%dma_start3A_80 : memref<1000000x64xf32, #tpu.memory_space<hbm>>) target(%dma_start3A_75 : memref<128x64xf32, #tpu.memory_space<vmem>>) offsets(%dma_start3A_77 : memref<128xi32, #tpu.memory_space<vmem>>) semaphore(%arg15 : memref<!tpu.dma_semaphore, #tpu.memory_space<semaphore_mem>>)
    %dma_start3A_81 = arith.constant 128 : i32
    %dma_start3A_82 = arith.constant 0 : i32
    %dma_start3A_83 = tpu.memref_slice %arg11[%dma_start3A_81, %dma_start3A_82] : memref<200x64xf32, #tpu.memory_space<vmem>> -> memref<72x64xf32, #tpu.memory_space<vmem>>
    %dma_start3A_84 = arith.constant 728 : i32
    %dma_start3A_85 = tpu.memref_slice %arg6[%dma_start3A_84] : memref<25600xi32, #tpu.memory_space<vmem>> -> memref<72xi32, #tpu.memory_space<vmem>>
    %dma_start3A_86 = arith.constant 0 : i32
    %dma_start3A_87 = arith.constant 0 : i32
    %dma_start3A_88 = tpu.memref_slice %arg3[%dma_start3A_86, %dma_start3A_87] : memref<1000000x64xf32, #tpu.memory_space<hbm>> -> memref<1000000x64xf32, #tpu.memory_space<hbm>>
    tpu.enqueue_indirect_dma source(%dma_start3A_88 : memref<1000000x64xf32, #tpu.memory_space<hbm>>) target(%dma_start3A_83 : memref<72x64xf32, #tpu.memory_space<vmem>>) offsets(%dma_start3A_85 : memref<72xi32, #tpu.memory_space<vmem>>) semaphore(%arg15 : memref<!tpu.dma_semaphore, #tpu.memory_space<semaphore_mem>>)
    %dma_wait3A_89 = arith.constant 0 : i32
    %dma_wait3A_90 = arith.constant 0 : i32
    %dma_wait3A_91 = tpu.memref_slice %arg9[%dma_wait3A_89, %dma_wait3A_90] : memref<200x64xf32, #tpu.memory_space<vmem>> -> memref<128x64xf32, #tpu.memory_space<vmem>>
    %dma_wait3A_92 = arith.constant 200 : i32
    %dma_wait3A_93 = tpu.memref_slice %arg6[%dma_wait3A_92] : memref<25600xi32, #tpu.memory_space<vmem>> -> memref<128xi32, #tpu.memory_space<vmem>>
    %dma_wait3A_94 = arith.constant 0 : i32
    %dma_wait3A_95 = arith.constant 0 : i32
    %dma_wait3A_96 = tpu.memref_slice %arg3[%dma_wait3A_94, %dma_wait3A_95] : memref<1000000x64xf32, #tpu.memory_space<hbm>> -> memref<1000000x64xf32, #tpu.memory_space<hbm>>
    tpu.wait_indirect_dma semaphore(%arg13 : memref<!tpu.dma_semaphore, #tpu.memory_space<semaphore_mem>>) src(%dma_wait3A_96 : memref<1000000x64xf32, #tpu.memory_space<hbm>>) dst(%dma_wait3A_91 : memref<128x64xf32, #tpu.memory_space<vmem>>)
    %dma_wait3A_97 = arith.constant 128 : i32
    %dma_wait3A_98 = arith.constant 0 : i32
    %dma_wait3A_99 = tpu.memref_slice %arg9[%dma_wait3A_97, %dma_wait3A_98] : memref<200x64xf32, #tpu.memory_space<vmem>> -> memref<72x64xf32, #tpu.memory_space<vmem>>
    %dma_wait3A_100 = arith.constant 328 : i32
    %dma_wait3A_101 = tpu.memref_slice %arg6[%dma_wait3A_100] : memref<25600xi32, #tpu.memory_space<vmem>> -> memref<72xi32, #tpu.memory_space<vmem>>
    %dma_wait3A_102 = arith.constant 0 : i32
    %dma_wait3A_103 = arith.constant 0 : i32
    %dma_wait3A_104 = tpu.memref_slice %arg3[%dma_wait3A_102, %dma_wait3A_103] : memref<1000000x64xf32, #tpu.memory_space<hbm>> -> memref<1000000x64xf32, #tpu.memory_space<hbm>>
    tpu.wait_indirect_dma semaphore(%arg13 : memref<!tpu.dma_semaphore, #tpu.memory_space<semaphore_mem>>) src(%dma_wait3A_104 : memref<1000000x64xf32, #tpu.memory_space<hbm>>) dst(%dma_wait3A_99 : memref<72x64xf32, #tpu.memory_space<vmem>>)
    %parallel_loop3A_105 = arith.constant 0 : i32
    %parallel_loop3A_106 = arith.constant 200 : i32
    %parallel_loop3A_107 = arith.constant 1 : i32
    scf.for %parallel_loop3A_193 = %parallel_loop3A_105 to %parallel_loop3A_106 step %parallel_loop3A_107  : i32 {
      %parallel_loop3A_194 = arith.index_cast %parallel_loop3A_193 : i32 to index
      %parallel_loop3A_195 = arith.constant 0 : index
      %parallel_loop3A_196 = tpu.vector_load %arg9[%parallel_loop3A_194, %parallel_loop3A_195] {strides = array<i32>} : memref<200x64xf32, #tpu.memory_space<vmem>>, vector<1x32xf32>,
      %parallel_loop3A_197 = vector.shape_cast %parallel_loop3A_196 : vector<1x32xf32> to vector<32xf32>
      %parallel_loop3A_198 = arith.index_cast %parallel_loop3A_193 : i32 to index
      %parallel_loop3A_199 = arith.constant 0 : index
      %parallel_loop3A_200 = tpu.vector_load %arg7[%parallel_loop3A_198, %parallel_loop3A_199] {strides = array<i32>} : memref<200x64xf32, #tpu.memory_space<vmem>>, vector<1x32xf32>,
      %parallel_loop3A_201 = vector.shape_cast %parallel_loop3A_200 : vector<1x32xf32> to vector<32xf32>
      %parallel_loop3A_202 = arith.addf %parallel_loop3A_197, %parallel_loop3A_201 : vector<32xf32>
      %parallel_loop3A_203 = arith.index_cast %parallel_loop3A_193 : i32 to index
      %parallel_loop3A_204 = arith.constant 0 : index
      %parallel_loop3A_205 = tpu.vector_load %arg9[%parallel_loop3A_203, %parallel_loop3A_204] {strides = array<i32>} : memref<200x64xf32, #tpu.memory_space<vmem>>, vector<1x32xf32>,
      %parallel_loop3A_206 = vector.shape_cast %parallel_loop3A_205 : vector<1x32xf32> to vector<32xf32>
      %parallel_loop3A_207 = vector.shape_cast %parallel_loop3A_202 : vector<32xf32> to vector<1x32xf32>
      tpu.vector_store %arg9[%parallel_loop3A_203, %parallel_loop3A_204], %parallel_loop3A_207 {strides = array<i32>} : memref<200x64xf32, #tpu.memory_space<vmem>>, vector<1x32xf32>,
      %parallel_loop3A_208 = arith.index_cast %parallel_loop3A_193 : i32 to index
      %parallel_loop3A_209 = arith.constant 32 : index
      %parallel_loop3A_210 = tpu.vector_load %arg9[%parallel_loop3A_208, %parallel_loop3A_209] {strides = array<i32>} : memref<200x64xf32, #tpu.memory_space<vmem>>, vector<1x32xf32>,
      %parallel_loop3A_211 = vector.shape_cast %parallel_loop3A_210 : vector<1x32xf32> to vector<32xf32>
      %parallel_loop3A_212 = arith.index_cast %parallel_loop3A_193 : i32 to index
      %parallel_loop3A_213 = arith.constant 32 : index
      %parallel_loop3A_214 = tpu.vector_load %arg7[%parallel_loop3A_212, %parallel_loop3A_213] {strides = array<i32>} : memref<200x64xf32, #tpu.memory_space<vmem>>, vector<1x32xf32>,
      %parallel_loop3A_215 = vector.shape_cast %parallel_loop3A_214 : vector<1x32xf32> to vector<32xf32>
      %parallel_loop3A_216 = arith.addf %parallel_loop3A_211, %parallel_loop3A_215 : vector<32xf32>
      %parallel_loop3A_217 = arith.index_cast %parallel_loop3A_193 : i32 to index
      %parallel_loop3A_218 = arith.constant 32 : index
      %parallel_loop3A_219 = tpu.vector_load %arg9[%parallel_loop3A_217, %parallel_loop3A_218] {strides = array<i32>} : memref<200x64xf32, #tpu.memory_space<vmem>>, vector<1x32xf32>,
      %parallel_loop3A_220 = vector.shape_cast %parallel_loop3A_219 : vector<1x32xf32> to vector<32xf32>
      %parallel_loop3A_221 = vector.shape_cast %parallel_loop3A_216 : vector<32xf32> to vector<1x32xf32>
      tpu.vector_store %arg9[%parallel_loop3A_217, %parallel_loop3A_218], %parallel_loop3A_221 {strides = array<i32>} : memref<200x64xf32, #tpu.memory_space<vmem>>, vector<1x32xf32>,
    } {sc.loop_unroll_factor = 4 : i64, sc.parallel_access}
    %add3A_108 = arith.constant 200 : i32
    %add3A_109 = arith.addi %mul3A_2, %add3A_108 : i32
    %dma_start3A_110 = arith.constant 0 : i32
    %dma_start3A_111 = tpu.memref_slice %arg5[%add3A_109, %dma_start3A_110] : memref<819200x64xf32, #tpu.memory_space<hbm>> -> memref<200x64xf32, #tpu.memory_space<hbm>>
    %dma_start3A_112 = arith.constant 0 : i32
    %dma_start3A_113 = tpu.memref_slice %arg5[%add3A_109, %dma_start3A_112] : memref<819200x64xf32, #tpu.memory_space<hbm>> -> memref<200x64xf32, #tpu.memory_space<hbm>>
    tpu.enqueue_dma source(%arg9 : memref<200x64xf32, #tpu.memory_space<vmem>>) target(%dma_start3A_113 : memref<200x64xf32, #tpu.memory_space<hbm>>) target_semaphore(%arg17 : memref<!tpu.dma_semaphore, #tpu.memory_space<semaphore_mem>>)
    %scan3A = arith.constant 0 : i32
    %scan3A_114 = arith.constant 0 : i32
    %scan3A_115 = arith.constant 31 : i32
    %scan3A_116 = arith.addi %scan3A_114, %scan3A_115 : i32
    %scan3A_117 = arith.constant 1 : i32
    scf.for %scan3A_193 = %scan3A_114 to %scan3A_116 step %scan3A_117  : i32 {
      %mul3A_194 = arith.constant 4 : i32
      %mul3A_195 = arith.muli %mul3A_194, %scan3A_193 : i32
      %add3A_196 = arith.constant 2 : i32
      %add3A_197 = arith.addi %add3A_196, %mul3A_195 : i32
      %add3A_198 = arith.constant 0 : i32
      %add3A_199 = arith.addi %add3A_197, %add3A_198 : i32
      %sub3A = arith.constant 2 : i32
      %sub3A_200 = arith.subi %add3A_199, %sub3A : i32
      %mul3A_201 = arith.constant 200 : i32
      %mul3A_202 = arith.muli %sub3A_200, %mul3A_201 : i32
      %add3A_203 = arith.addi %mul3A_2, %mul3A_202 : i32
      %dma_wait3A_204 = arith.constant 0 : i32
      %dma_wait3A_205 = tpu.memref_slice %arg5[%add3A_203, %dma_wait3A_204] : memref<819200x64xf32, #tpu.memory_space<hbm>> -> memref<200x64xf32, #tpu.memory_space<hbm>>
      %dma_wait3A_206 = arith.constant 0 : i32
      %dma_wait3A_207 = tpu.memref_slice %arg5[%add3A_203, %dma_wait3A_206] : memref<819200x64xf32, #tpu.memory_space<hbm>> -> memref<200x64xf32, #tpu.memory_space<hbm>>
      tpu.wait_dma2 semaphore(%arg16 : memref<!tpu.dma_semaphore, #tpu.memory_space<semaphore_mem>>) src(%arg8 : memref<200x64xf32, #tpu.memory_space<vmem>>) dst(%dma_wait3A_207 : memref<200x64xf32, #tpu.memory_space<hbm>>)
      %add3A_208 = arith.constant 2 : i32
      %add3A_209 = arith.addi %add3A_199, %add3A_208 : i32
      %mul3A_210 = arith.constant 200 : i32
      %mul3A_211 = arith.muli %add3A_209, %mul3A_210 : i32
      %add3A_212 = arith.constant 0 : i32
      %add3A_213 = arith.addi %mul3A_211, %add3A_212 : i32
      %add3A_214 = arith.constant 128 : i32
      %add3A_215 = arith.addi %mul3A_211, %add3A_214 : i32
      %dma_start3A_216 = arith.constant 0 : i32
      %dma_start3A_217 = arith.constant 0 : i32
      %dma_start3A_218 = tpu.memref_slice %arg8[%dma_start3A_216, %dma_start3A_217] : memref<200x64xf32, #tpu.memory_space<vmem>> -> memref<128x64xf32, #tpu.memory_space<vmem>>
      %dma_start3A_219 = tpu.memref_slice %arg6[%add3A_213] : memref<25600xi32, #tpu.memory_space<vmem>> -> memref<128xi32, #tpu.memory_space<vmem>>
      %dma_start3A_220 = arith.constant 0 : i32
      %dma_start3A_221 = arith.constant 0 : i32
      %dma_start3A_222 = tpu.memref_slice %arg3[%dma_start3A_220, %dma_start3A_221] : memref<1000000x64xf32, #tpu.memory_space<hbm>> -> memref<1000000x64xf32, #tpu.memory_space<hbm>>
      tpu.enqueue_indirect_dma source(%dma_start3A_222 : memref<1000000x64xf32, #tpu.memory_space<hbm>>) target(%dma_start3A_218 : memref<128x64xf32, #tpu.memory_space<vmem>>) offsets(%dma_start3A_219 : memref<128xi32, #tpu.memory_space<vmem>>) semaphore(%arg12 : memref<!tpu.dma_semaphore, #tpu.memory_space<semaphore_mem>>)
      %dma_start3A_223 = arith.constant 128 : i32
      %dma_start3A_224 = arith.constant 0 : i32
      %dma_start3A_225 = tpu.memref_slice %arg8[%dma_start3A_223, %dma_start3A_224] : memref<200x64xf32, #tpu.memory_space<vmem>> -> memref<72x64xf32, #tpu.memory_space<vmem>>
      %dma_start3A_226 = tpu.memref_slice %arg6[%add3A_215] : memref<25600xi32, #tpu.memory_space<vmem>> -> memref<72xi32, #tpu.memory_space<vmem>>
      %dma_start3A_227 = arith.constant 0 : i32
      %dma_start3A_228 = arith.constant 0 : i32
      %dma_start3A_229 = tpu.memref_slice %arg3[%dma_start3A_227, %dma_start3A_228] : memref<1000000x64xf32, #tpu.memory_space<hbm>> -> memref<1000000x64xf32, #tpu.memory_space<hbm>>
      tpu.enqueue_indirect_dma source(%dma_start3A_229 : memref<1000000x64xf32, #tpu.memory_space<hbm>>) target(%dma_start3A_225 : memref<72x64xf32, #tpu.memory_space<vmem>>) offsets(%dma_start3A_226 : memref<72xi32, #tpu.memory_space<vmem>>) semaphore(%arg12 : memref<!tpu.dma_semaphore, #tpu.memory_space<semaphore_mem>>)
      %mul3A_230 = arith.constant 200 : i32
      %mul3A_231 = arith.muli %add3A_199, %mul3A_230 : i32
      %add3A_232 = arith.constant 0 : i32
      %add3A_233 = arith.addi %mul3A_231, %add3A_232 : i32
      %add3A_234 = arith.constant 128 : i32
      %add3A_235 = arith.addi %mul3A_231, %add3A_234 : i32
      %dma_wait3A_236 = arith.constant 0 : i32
      %dma_wait3A_237 = arith.constant 0 : i32
      %dma_wait3A_238 = tpu.memref_slice %arg10[%dma_wait3A_236, %dma_wait3A_237] : memref<200x64xf32, #tpu.memory_space<vmem>> -> memref<128x64xf32, #tpu.memory_space<vmem>>
      %dma_wait3A_239 = tpu.memref_slice %arg6[%add3A_233] : memref<25600xi32, #tpu.memory_space<vmem>> -> memref<128xi32, #tpu.memory_space<vmem>>
      %dma_wait3A_240 = arith.constant 0 : i32
      %dma_wait3A_241 = arith.constant 0 : i32
      %dma_wait3A_242 = tpu.memref_slice %arg3[%dma_wait3A_240, %dma_wait3A_241] : memref<1000000x64xf32, #tpu.memory_space<hbm>> -> memref<1000000x64xf32, #tpu.memory_space<hbm>>
      tpu.wait_indirect_dma semaphore(%arg14 : memref<!tpu.dma_semaphore, #tpu.memory_space<semaphore_mem>>) src(%dma_wait3A_242 : memref<1000000x64xf32, #tpu.memory_space<hbm>>) dst(%dma_wait3A_238 : memref<128x64xf32, #tpu.memory_space<vmem>>)
      %dma_wait3A_243 = arith.constant 128 : i32
      %dma_wait3A_244 = arith.constant 0 : i32
      %dma_wait3A_245 = tpu.memref_slice %arg10[%dma_wait3A_243, %dma_wait3A_244] : memref<200x64xf32, #tpu.memory_space<vmem>> -> memref<72x64xf32, #tpu.memory_space<vmem>>
      %dma_wait3A_246 = tpu.memref_slice %arg6[%add3A_235] : memref<25600xi32, #tpu.memory_space<vmem>> -> memref<72xi32, #tpu.memory_space<vmem>>
      %dma_wait3A_247 = arith.constant 0 : i32
      %dma_wait3A_248 = arith.constant 0 : i32
      %dma_wait3A_249 = tpu.memref_slice %arg3[%dma_wait3A_247, %dma_wait3A_248] : memref<1000000x64xf32, #tpu.memory_space<hbm>> -> memref<1000000x64xf32, #tpu.memory_space<hbm>>
      tpu.wait_indirect_dma semaphore(%arg14 : memref<!tpu.dma_semaphore, #tpu.memory_space<semaphore_mem>>) src(%dma_wait3A_249 : memref<1000000x64xf32, #tpu.memory_space<hbm>>) dst(%dma_wait3A_245 : memref<72x64xf32, #tpu.memory_space<vmem>>)
      %parallel_loop3A_250 = arith.constant 0 : i32
      %parallel_loop3A_251 = arith.constant 200 : i32
      %parallel_loop3A_252 = arith.constant 1 : i32
      scf.for %parallel_loop3A_449 = %parallel_loop3A_250 to %parallel_loop3A_251 step %parallel_loop3A_252  : i32 {
        %parallel_loop3A_450 = arith.index_cast %parallel_loop3A_449 : i32 to index
        %parallel_loop3A_451 = arith.constant 0 : index
        %parallel_loop3A_452 = tpu.vector_load %arg10[%parallel_loop3A_450, %parallel_loop3A_451] {strides = array<i32>} : memref<200x64xf32, #tpu.memory_space<vmem>>, vector<1x32xf32>,
        %parallel_loop3A_453 = vector.shape_cast %parallel_loop3A_452 : vector<1x32xf32> to vector<32xf32>
        %parallel_loop3A_454 = arith.index_cast %parallel_loop3A_449 : i32 to index
        %parallel_loop3A_455 = arith.constant 0 : index
        %parallel_loop3A_456 = tpu.vector_load %arg7[%parallel_loop3A_454, %parallel_loop3A_455] {strides = array<i32>} : memref<200x64xf32, #tpu.memory_space<vmem>>, vector<1x32xf32>,
        %parallel_loop3A_457 = vector.shape_cast %parallel_loop3A_456 : vector<1x32xf32> to vector<32xf32>
        %parallel_loop3A_458 = arith.addf %parallel_loop3A_453, %parallel_loop3A_457 : vector<32xf32>
        %parallel_loop3A_459 = arith.index_cast %parallel_loop3A_449 : i32 to index
        %parallel_loop3A_460 = arith.constant 0 : index
        %parallel_loop3A_461 = tpu.vector_load %arg10[%parallel_loop3A_459, %parallel_loop3A_460] {strides = array<i32>} : memref<200x64xf32, #tpu.memory_space<vmem>>, vector<1x32xf32>,
        %parallel_loop3A_462 = vector.shape_cast %parallel_loop3A_461 : vector<1x32xf32> to vector<32xf32>
        %parallel_loop3A_463 = vector.shape_cast %parallel_loop3A_458 : vector<32xf32> to vector<1x32xf32>
        tpu.vector_store %arg10[%parallel_loop3A_459, %parallel_loop3A_460], %parallel_loop3A_463 {strides = array<i32>} : memref<200x64xf32, #tpu.memory_space<vmem>>, vector<1x32xf32>,
        %parallel_loop3A_464 = arith.index_cast %parallel_loop3A_449 : i32 to index
        %parallel_loop3A_465 = arith.constant 32 : index
        %parallel_loop3A_466 = tpu.vector_load %arg10[%parallel_loop3A_464, %parallel_loop3A_465] {strides = array<i32>} : memref<200x64xf32, #tpu.memory_space<vmem>>, vector<1x32xf32>,
        %parallel_loop3A_467 = vector.shape_cast %parallel_loop3A_466 : vector<1x32xf32> to vector<32xf32>
        %parallel_loop3A_468 = arith.index_cast %parallel_loop3A_449 : i32 to index
        %parallel_loop3A_469 = arith.constant 32 : index
        %parallel_loop3A_470 = tpu.vector_load %arg7[%parallel_loop3A_468, %parallel_loop3A_469] {strides = array<i32>} : memref<200x64xf32, #tpu.memory_space<vmem>>, vector<1x32xf32>,
        %parallel_loop3A_471 = vector.shape_cast %parallel_loop3A_470 : vector<1x32xf32> to vector<32xf32>
        %parallel_loop3A_472 = arith.addf %parallel_loop3A_467, %parallel_loop3A_471 : vector<32xf32>
        %parallel_loop3A_473 = arith.index_cast %parallel_loop3A_449 : i32 to index
        %parallel_loop3A_474 = arith.constant 32 : index
        %parallel_loop3A_475 = tpu.vector_load %arg10[%parallel_loop3A_473, %parallel_loop3A_474] {strides = array<i32>} : memref<200x64xf32, #tpu.memory_space<vmem>>, vector<1x32xf32>,
        %parallel_loop3A_476 = vector.shape_cast %parallel_loop3A_475 : vector<1x32xf32> to vector<32xf32>
        %parallel_loop3A_477 = vector.shape_cast %parallel_loop3A_472 : vector<32xf32> to vector<1x32xf32>
        tpu.vector_store %arg10[%parallel_loop3A_473, %parallel_loop3A_474], %parallel_loop3A_477 {strides = array<i32>} : memref<200x64xf32, #tpu.memory_space<vmem>>, vector<1x32xf32>,
      } {sc.loop_unroll_factor = 4 : i64, sc.parallel_access}
      %mul3A_253 = arith.constant 200 : i32
      %mul3A_254 = arith.muli %add3A_199, %mul3A_253 : i32
      %add3A_255 = arith.addi %mul3A_2, %mul3A_254 : i32
      %dma_start3A_256 = arith.constant 0 : i32
      %dma_start3A_257 = tpu.memref_slice %arg5[%add3A_255, %dma_start3A_256] : memref<819200x64xf32, #tpu.memory_space<hbm>> -> memref<200x64xf32, #tpu.memory_space<hbm>>
      %dma_start3A_258 = arith.constant 0 : i32
      %dma_start3A_259 = tpu.memref_slice %arg5[%add3A_255, %dma_start3A_258] : memref<819200x64xf32, #tpu.memory_space<hbm>> -> memref<200x64xf32, #tpu.memory_space<hbm>>
      tpu.enqueue_dma source(%arg10 : memref<200x64xf32, #tpu.memory_space<vmem>>) target(%dma_start3A_259 : memref<200x64xf32, #tpu.memory_space<hbm>>) target_semaphore(%arg18 : memref<!tpu.dma_semaphore, #tpu.memory_space<semaphore_mem>>)
      %add3A_260 = arith.constant 1 : i32
      %add3A_261 = arith.addi %add3A_197, %add3A_260 : i32
      %sub3A_262 = arith.constant 2 : i32
      %sub3A_263 = arith.subi %add3A_261, %sub3A_262 : i32
      %mul3A_264 = arith.constant 200 : i32
      %mul3A_265 = arith.muli %sub3A_263, %mul3A_264 : i32
      %add3A_266 = arith.addi %mul3A_2, %mul3A_265 : i32
      %dma_wait3A_267 = arith.constant 0 : i32
      %dma_wait3A_268 = tpu.memref_slice %arg5[%add3A_266, %dma_wait3A_267] : memref<819200x64xf32, #tpu.memory_space<hbm>> -> memref<200x64xf32, #tpu.memory_space<hbm>>
      %dma_wait3A_269 = arith.constant 0 : i32
      %dma_wait3A_270 = tpu.memref_slice %arg5[%add3A_266, %dma_wait3A_269] : memref<819200x64xf32, #tpu.memory_space<hbm>> -> memref<200x64xf32, #tpu.memory_space<hbm>>
      tpu.wait_dma2 semaphore(%arg17 : memref<!tpu.dma_semaphore, #tpu.memory_space<semaphore_mem>>) src(%arg9 : memref<200x64xf32, #tpu.memory_space<vmem>>) dst(%dma_wait3A_270 : memref<200x64xf32, #tpu.memory_space<hbm>>)
      %add3A_271 = arith.constant 2 : i32
      %add3A_272 = arith.addi %add3A_261, %add3A_271 : i32
      %mul3A_273 = arith.constant 200 : i32
      %mul3A_274 = arith.muli %add3A_272, %mul3A_273 : i32
      %add3A_275 = arith.constant 0 : i32
      %add3A_276 = arith.addi %mul3A_274, %add3A_275 : i32
      %add3A_277 = arith.constant 128 : i32
      %add3A_278 = arith.addi %mul3A_274, %add3A_277 : i32
      %dma_start3A_279 = arith.constant 0 : i32
      %dma_start3A_280 = arith.constant 0 : i32
      %dma_start3A_281 = tpu.memref_slice %arg9[%dma_start3A_279, %dma_start3A_280] : memref<200x64xf32, #tpu.memory_space<vmem>> -> memref<128x64xf32, #tpu.memory_space<vmem>>
      %dma_start3A_282 = tpu.memref_slice %arg6[%add3A_276] : memref<25600xi32, #tpu.memory_space<vmem>> -> memref<128xi32, #tpu.memory_space<vmem>>
      %dma_start3A_283 = arith.constant 0 : i32
      %dma_start3A_284 = arith.constant 0 : i32
      %dma_start3A_285 = tpu.memref_slice %arg3[%dma_start3A_283, %dma_start3A_284] : memref<1000000x64xf32, #tpu.memory_space<hbm>> -> memref<1000000x64xf32, #tpu.memory_space<hbm>>
      tpu.enqueue_indirect_dma source(%dma_start3A_285 : memref<1000000x64xf32, #tpu.memory_space<hbm>>) target(%dma_start3A_281 : memref<128x64xf32, #tpu.memory_space<vmem>>) offsets(%dma_start3A_282 : memref<128xi32, #tpu.memory_space<vmem>>) semaphore(%arg13 : memref<!tpu.dma_semaphore, #tpu.memory_space<semaphore_mem>>)
      %dma_start3A_286 = arith.constant 128 : i32
      %dma_start3A_287 = arith.constant 0 : i32
      %dma_start3A_288 = tpu.memref_slice %arg9[%dma_start3A_286, %dma_start3A_287] : memref<200x64xf32, #tpu.memory_space<vmem>> -> memref<72x64xf32, #tpu.memory_space<vmem>>
      %dma_start3A_289 = tpu.memref_slice %arg6[%add3A_278] : memref<25600xi32, #tpu.memory_space<vmem>> -> memref<72xi32, #tpu.memory_space<vmem>>
      %dma_start3A_290 = arith.constant 0 : i32
      %dma_start3A_291 = arith.constant 0 : i32
      %dma_start3A_292 = tpu.memref_slice %arg3[%dma_start3A_290, %dma_start3A_291] : memref<1000000x64xf32, #tpu.memory_space<hbm>> -> memref<1000000x64xf32, #tpu.memory_space<hbm>>
      tpu.enqueue_indirect_dma source(%dma_start3A_292 : memref<1000000x64xf32, #tpu.memory_space<hbm>>) target(%dma_start3A_288 : memref<72x64xf32, #tpu.memory_space<vmem>>) offsets(%dma_start3A_289 : memref<72xi32, #tpu.memory_space<vmem>>) semaphore(%arg13 : memref<!tpu.dma_semaphore, #tpu.memory_space<semaphore_mem>>)
      %mul3A_293 = arith.constant 200 : i32
      %mul3A_294 = arith.muli %add3A_261, %mul3A_293 : i32
      %add3A_295 = arith.constant 0 : i32
      %add3A_296 = arith.addi %mul3A_294, %add3A_295 : i32
      %add3A_297 = arith.constant 128 : i32
      %add3A_298 = arith.addi %mul3A_294, %add3A_297 : i32
      %dma_wait3A_299 = arith.constant 0 : i32
      %dma_wait3A_300 = arith.constant 0 : i32
      %dma_wait3A_301 = tpu.memref_slice %arg11[%dma_wait3A_299, %dma_wait3A_300] : memref<200x64xf32, #tpu.memory_space<vmem>> -> memref<128x64xf32, #tpu.memory_space<vmem>>
      %dma_wait3A_302 = tpu.memref_slice %arg6[%add3A_296] : memref<25600xi32, #tpu.memory_space<vmem>> -> memref<128xi32, #tpu.memory_space<vmem>>
      %dma_wait3A_303 = arith.constant 0 : i32
      %dma_wait3A_304 = arith.constant 0 : i32
      %dma_wait3A_305 = tpu.memref_slice %arg3[%dma_wait3A_303, %dma_wait3A_304] : memref<1000000x64xf32, #tpu.memory_space<hbm>> -> memref<1000000x64xf32, #tpu.memory_space<hbm>>
      tpu.wait_indirect_dma semaphore(%arg15 : memref<!tpu.dma_semaphore, #tpu.memory_space<semaphore_mem>>) src(%dma_wait3A_305 : memref<1000000x64xf32, #tpu.memory_space<hbm>>) dst(%dma_wait3A_301 : memref<128x64xf32, #tpu.memory_space<vmem>>)
      %dma_wait3A_306 = arith.constant 128 : i32
      %dma_wait3A_307 = arith.constant 0 : i32
      %dma_wait3A_308 = tpu.memref_slice %arg11[%dma_wait3A_306, %dma_wait3A_307] : memref<200x64xf32, #tpu.memory_space<vmem>> -> memref<72x64xf32, #tpu.memory_space<vmem>>
      %dma_wait3A_309 = tpu.memref_slice %arg6[%add3A_298] : memref<25600xi32, #tpu.memory_space<vmem>> -> memref<72xi32, #tpu.memory_space<vmem>>
      %dma_wait3A_310 = arith.constant 0 : i32
      %dma_wait3A_311 = arith.constant 0 : i32
      %dma_wait3A_312 = tpu.memref_slice %arg3[%dma_wait3A_310, %dma_wait3A_311] : memref<1000000x64xf32, #tpu.memory_space<hbm>> -> memref<1000000x64xf32, #tpu.memory_space<hbm>>
      tpu.wait_indirect_dma semaphore(%arg15 : memref<!tpu.dma_semaphore, #tpu.memory_space<semaphore_mem>>) src(%dma_wait3A_312 : memref<1000000x64xf32, #tpu.memory_space<hbm>>) dst(%dma_wait3A_308 : memref<72x64xf32, #tpu.memory_space<vmem>>)
      %parallel_loop3A_313 = arith.constant 0 : i32
      %parallel_loop3A_314 = arith.constant 200 : i32
      %parallel_loop3A_315 = arith.constant 1 : i32
      scf.for %parallel_loop3A_449 = %parallel_loop3A_313 to %parallel_loop3A_314 step %parallel_loop3A_315  : i32 {
        %parallel_loop3A_450 = arith.index_cast %parallel_loop3A_449 : i32 to index
        %parallel_loop3A_451 = arith.constant 0 : index
        %parallel_loop3A_452 = tpu.vector_load %arg11[%parallel_loop3A_450, %parallel_loop3A_451] {strides = array<i32>} : memref<200x64xf32, #tpu.memory_space<vmem>>, vector<1x32xf32>,
        %parallel_loop3A_453 = vector.shape_cast %parallel_loop3A_452 : vector<1x32xf32> to vector<32xf32>
        %parallel_loop3A_454 = arith.index_cast %parallel_loop3A_449 : i32 to index
        %parallel_loop3A_455 = arith.constant 0 : index
        %parallel_loop3A_456 = tpu.vector_load %arg7[%parallel_loop3A_454, %parallel_loop3A_455] {strides = array<i32>} : memref<200x64xf32, #tpu.memory_space<vmem>>, vector<1x32xf32>,
        %parallel_loop3A_457 = vector.shape_cast %parallel_loop3A_456 : vector<1x32xf32> to vector<32xf32>
        %parallel_loop3A_458 = arith.addf %parallel_loop3A_453, %parallel_loop3A_457 : vector<32xf32>
        %parallel_loop3A_459 = arith.index_cast %parallel_loop3A_449 : i32 to index
        %parallel_loop3A_460 = arith.constant 0 : index
        %parallel_loop3A_461 = tpu.vector_load %arg11[%parallel_loop3A_459, %parallel_loop3A_460] {strides = array<i32>} : memref<200x64xf32, #tpu.memory_space<vmem>>, vector<1x32xf32>,
        %parallel_loop3A_462 = vector.shape_cast %parallel_loop3A_461 : vector<1x32xf32> to vector<32xf32>
        %parallel_loop3A_463 = vector.shape_cast %parallel_loop3A_458 : vector<32xf32> to vector<1x32xf32>
        tpu.vector_store %arg11[%parallel_loop3A_459, %parallel_loop3A_460], %parallel_loop3A_463 {strides = array<i32>} : memref<200x64xf32, #tpu.memory_space<vmem>>, vector<1x32xf32>,
        %parallel_loop3A_464 = arith.index_cast %parallel_loop3A_449 : i32 to index
        %parallel_loop3A_465 = arith.constant 32 : index
        %parallel_loop3A_466 = tpu.vector_load %arg11[%parallel_loop3A_464, %parallel_loop3A_465] {strides = array<i32>} : memref<200x64xf32, #tpu.memory_space<vmem>>, vector<1x32xf32>,
        %parallel_loop3A_467 = vector.shape_cast %parallel_loop3A_466 : vector<1x32xf32> to vector<32xf32>
        %parallel_loop3A_468 = arith.index_cast %parallel_loop3A_449 : i32 to index
        %parallel_loop3A_469 = arith.constant 32 : index
        %parallel_loop3A_470 = tpu.vector_load %arg7[%parallel_loop3A_468, %parallel_loop3A_469] {strides = array<i32>} : memref<200x64xf32, #tpu.memory_space<vmem>>, vector<1x32xf32>,
        %parallel_loop3A_471 = vector.shape_cast %parallel_loop3A_470 : vector<1x32xf32> to vector<32xf32>
        %parallel_loop3A_472 = arith.addf %parallel_loop3A_467, %parallel_loop3A_471 : vector<32xf32>
        %parallel_loop3A_473 = arith.index_cast %parallel_loop3A_449 : i32 to index
        %parallel_loop3A_474 = arith.constant 32 : index
        %parallel_loop3A_475 = tpu.vector_load %arg11[%parallel_loop3A_473, %parallel_loop3A_474] {strides = array<i32>} : memref<200x64xf32, #tpu.memory_space<vmem>>, vector<1x32xf32>,
        %parallel_loop3A_476 = vector.shape_cast %parallel_loop3A_475 : vector<1x32xf32> to vector<32xf32>
        %parallel_loop3A_477 = vector.shape_cast %parallel_loop3A_472 : vector<32xf32> to vector<1x32xf32>
        tpu.vector_store %arg11[%parallel_loop3A_473, %parallel_loop3A_474], %parallel_loop3A_477 {strides = array<i32>} : memref<200x64xf32, #tpu.memory_space<vmem>>, vector<1x32xf32>,
      } {sc.loop_unroll_factor = 4 : i64, sc.parallel_access}
      %mul3A_316 = arith.constant 200 : i32
      %mul3A_317 = arith.muli %add3A_261, %mul3A_316 : i32
      %add3A_318 = arith.addi %mul3A_2, %mul3A_317 : i32
      %dma_start3A_319 = arith.constant 0 : i32
      %dma_start3A_320 = tpu.memref_slice %arg5[%add3A_318, %dma_start3A_319] : memref<819200x64xf32, #tpu.memory_space<hbm>> -> memref<200x64xf32, #tpu.memory_space<hbm>>
      %dma_start3A_321 = arith.constant 0 : i32
      %dma_start3A_322 = tpu.memref_slice %arg5[%add3A_318, %dma_start3A_321] : memref<819200x64xf32, #tpu.memory_space<hbm>> -> memref<200x64xf32, #tpu.memory_space<hbm>>
      tpu.enqueue_dma source(%arg11 : memref<200x64xf32, #tpu.memory_space<vmem>>) target(%dma_start3A_322 : memref<200x64xf32, #tpu.memory_space<hbm>>) target_semaphore(%arg19 : memref<!tpu.dma_semaphore, #tpu.memory_space<semaphore_mem>>)
      %add3A_323 = arith.constant 2 : i32
      %add3A_324 = arith.addi %add3A_197, %add3A_323 : i32
      %sub3A_325 = arith.constant 2 : i32
      %sub3A_326 = arith.subi %add3A_324, %sub3A_325 : i32
      %mul3A_327 = arith.constant 200 : i32
      %mul3A_328 = arith.muli %sub3A_326, %mul3A_327 : i32
      %add3A_329 = arith.addi %mul3A_2, %mul3A_328 : i32
      %dma_wait3A_330 = arith.constant 0 : i32
      %dma_wait3A_331 = tpu.memref_slice %arg5[%add3A_329, %dma_wait3A_330] : memref<819200x64xf32, #tpu.memory_space<hbm>> -> memref<200x64xf32, #tpu.memory_space<hbm>>
      %dma_wait3A_332 = arith.constant 0 : i32
      %dma_wait3A_333 = tpu.memref_slice %arg5[%add3A_329, %dma_wait3A_332] : memref<819200x64xf32, #tpu.memory_space<hbm>> -> memref<200x64xf32, #tpu.memory_space<hbm>>
      tpu.wait_dma2 semaphore(%arg18 : memref<!tpu.dma_semaphore, #tpu.memory_space<semaphore_mem>>) src(%arg10 : memref<200x64xf32, #tpu.memory_space<vmem>>) dst(%dma_wait3A_333 : memref<200x64xf32, #tpu.memory_space<hbm>>)
      %add3A_334 = arith.constant 2 : i32
      %add3A_335 = arith.addi %add3A_324, %add3A_334 : i32
      %mul3A_336 = arith.constant 200 : i32
      %mul3A_337 = arith.muli %add3A_335, %mul3A_336 : i32
      %add3A_338 = arith.constant 0 : i32
      %add3A_339 = arith.addi %mul3A_337, %add3A_338 : i32
      %add3A_340 = arith.constant 128 : i32
      %add3A_341 = arith.addi %mul3A_337, %add3A_340 : i32
      %dma_start3A_342 = arith.constant 0 : i32
      %dma_start3A_343 = arith.constant 0 : i32
      %dma_start3A_344 = tpu.memref_slice %arg10[%dma_start3A_342, %dma_start3A_343] : memref<200x64xf32, #tpu.memory_space<vmem>> -> memref<128x64xf32, #tpu.memory_space<vmem>>
      %dma_start3A_345 = tpu.memref_slice %arg6[%add3A_339] : memref<25600xi32, #tpu.memory_space<vmem>> -> memref<128xi32, #tpu.memory_space<vmem>>
      %dma_start3A_346 = arith.constant 0 : i32
      %dma_start3A_347 = arith.constant 0 : i32
      %dma_start3A_348 = tpu.memref_slice %arg3[%dma_start3A_346, %dma_start3A_347] : memref<1000000x64xf32, #tpu.memory_space<hbm>> -> memref<1000000x64xf32, #tpu.memory_space<hbm>>
      tpu.enqueue_indirect_dma source(%dma_start3A_348 : memref<1000000x64xf32, #tpu.memory_space<hbm>>) target(%dma_start3A_344 : memref<128x64xf32, #tpu.memory_space<vmem>>) offsets(%dma_start3A_345 : memref<128xi32, #tpu.memory_space<vmem>>) semaphore(%arg14 : memref<!tpu.dma_semaphore, #tpu.memory_space<semaphore_mem>>)
      %dma_start3A_349 = arith.constant 128 : i32
      %dma_start3A_350 = arith.constant 0 : i32
      %dma_start3A_351 = tpu.memref_slice %arg10[%dma_start3A_349, %dma_start3A_350] : memref<200x64xf32, #tpu.memory_space<vmem>> -> memref<72x64xf32, #tpu.memory_space<vmem>>
      %dma_start3A_352 = tpu.memref_slice %arg6[%add3A_341] : memref<25600xi32, #tpu.memory_space<vmem>> -> memref<72xi32, #tpu.memory_space<vmem>>
      %dma_start3A_353 = arith.constant 0 : i32
      %dma_start3A_354 = arith.constant 0 : i32
      %dma_start3A_355 = tpu.memref_slice %arg3[%dma_start3A_353, %dma_start3A_354] : memref<1000000x64xf32, #tpu.memory_space<hbm>> -> memref<1000000x64xf32, #tpu.memory_space<hbm>>
      tpu.enqueue_indirect_dma source(%dma_start3A_355 : memref<1000000x64xf32, #tpu.memory_space<hbm>>) target(%dma_start3A_351 : memref<72x64xf32, #tpu.memory_space<vmem>>) offsets(%dma_start3A_352 : memref<72xi32, #tpu.memory_space<vmem>>) semaphore(%arg14 : memref<!tpu.dma_semaphore, #tpu.memory_space<semaphore_mem>>)
      %mul3A_356 = arith.constant 200 : i32
      %mul3A_357 = arith.muli %add3A_324, %mul3A_356 : i32
      %add3A_358 = arith.constant 0 : i32
      %add3A_359 = arith.addi %mul3A_357, %add3A_358 : i32
      %add3A_360 = arith.constant 128 : i32
      %add3A_361 = arith.addi %mul3A_357, %add3A_360 : i32
      %dma_wait3A_362 = arith.constant 0 : i32
      %dma_wait3A_363 = arith.constant 0 : i32
      %dma_wait3A_364 = tpu.memref_slice %arg8[%dma_wait3A_362, %dma_wait3A_363] : memref<200x64xf32, #tpu.memory_space<vmem>> -> memref<128x64xf32, #tpu.memory_space<vmem>>
      %dma_wait3A_365 = tpu.memref_slice %arg6[%add3A_359] : memref<25600xi32, #tpu.memory_space<vmem>> -> memref<128xi32, #tpu.memory_space<vmem>>
      %dma_wait3A_366 = arith.constant 0 : i32
      %dma_wait3A_367 = arith.constant 0 : i32
      %dma_wait3A_368 = tpu.memref_slice %arg3[%dma_wait3A_366, %dma_wait3A_367] : memref<1000000x64xf32, #tpu.memory_space<hbm>> -> memref<1000000x64xf32, #tpu.memory_space<hbm>>
      tpu.wait_indirect_dma semaphore(%arg12 : memref<!tpu.dma_semaphore, #tpu.memory_space<semaphore_mem>>) src(%dma_wait3A_368 : memref<1000000x64xf32, #tpu.memory_space<hbm>>) dst(%dma_wait3A_364 : memref<128x64xf32, #tpu.memory_space<vmem>>)
      %dma_wait3A_369 = arith.constant 128 : i32
      %dma_wait3A_370 = arith.constant 0 : i32
      %dma_wait3A_371 = tpu.memref_slice %arg8[%dma_wait3A_369, %dma_wait3A_370] : memref<200x64xf32, #tpu.memory_space<vmem>> -> memref<72x64xf32, #tpu.memory_space<vmem>>
      %dma_wait3A_372 = tpu.memref_slice %arg6[%add3A_361] : memref<25600xi32, #tpu.memory_space<vmem>> -> memref<72xi32, #tpu.memory_space<vmem>>
      %dma_wait3A_373 = arith.constant 0 : i32
      %dma_wait3A_374 = arith.constant 0 : i32
      %dma_wait3A_375 = tpu.memref_slice %arg3[%dma_wait3A_373, %dma_wait3A_374] : memref<1000000x64xf32, #tpu.memory_space<hbm>> -> memref<1000000x64xf32, #tpu.memory_space<hbm>>
      tpu.wait_indirect_dma semaphore(%arg12 : memref<!tpu.dma_semaphore, #tpu.memory_space<semaphore_mem>>) src(%dma_wait3A_375 : memref<1000000x64xf32, #tpu.memory_space<hbm>>) dst(%dma_wait3A_371 : memref<72x64xf32, #tpu.memory_space<vmem>>)
      %parallel_loop3A_376 = arith.constant 0 : i32
      %parallel_loop3A_377 = arith.constant 200 : i32
      %parallel_loop3A_378 = arith.constant 1 : i32
      scf.for %parallel_loop3A_449 = %parallel_loop3A_376 to %parallel_loop3A_377 step %parallel_loop3A_378  : i32 {
        %parallel_loop3A_450 = arith.index_cast %parallel_loop3A_449 : i32 to index
        %parallel_loop3A_451 = arith.constant 0 : index
        %parallel_loop3A_452 = tpu.vector_load %arg8[%parallel_loop3A_450, %parallel_loop3A_451] {strides = array<i32>} : memref<200x64xf32, #tpu.memory_space<vmem>>, vector<1x32xf32>,
        %parallel_loop3A_453 = vector.shape_cast %parallel_loop3A_452 : vector<1x32xf32> to vector<32xf32>
        %parallel_loop3A_454 = arith.index_cast %parallel_loop3A_449 : i32 to index
        %parallel_loop3A_455 = arith.constant 0 : index
        %parallel_loop3A_456 = tpu.vector_load %arg7[%parallel_loop3A_454, %parallel_loop3A_455] {strides = array<i32>} : memref<200x64xf32, #tpu.memory_space<vmem>>, vector<1x32xf32>,
        %parallel_loop3A_457 = vector.shape_cast %parallel_loop3A_456 : vector<1x32xf32> to vector<32xf32>
        %parallel_loop3A_458 = arith.addf %parallel_loop3A_453, %parallel_loop3A_457 : vector<32xf32>
        %parallel_loop3A_459 = arith.index_cast %parallel_loop3A_449 : i32 to index
        %parallel_loop3A_460 = arith.constant 0 : index
        %parallel_loop3A_461 = tpu.vector_load %arg8[%parallel_loop3A_459, %parallel_loop3A_460] {strides = array<i32>} : memref<200x64xf32, #tpu.memory_space<vmem>>, vector<1x32xf32>,
        %parallel_loop3A_462 = vector.shape_cast %parallel_loop3A_461 : vector<1x32xf32> to vector<32xf32>
        %parallel_loop3A_463 = vector.shape_cast %parallel_loop3A_458 : vector<32xf32> to vector<1x32xf32>
        tpu.vector_store %arg8[%parallel_loop3A_459, %parallel_loop3A_460], %parallel_loop3A_463 {strides = array<i32>} : memref<200x64xf32, #tpu.memory_space<vmem>>, vector<1x32xf32>,
        %parallel_loop3A_464 = arith.index_cast %parallel_loop3A_449 : i32 to index
        %parallel_loop3A_465 = arith.constant 32 : index
        %parallel_loop3A_466 = tpu.vector_load %arg8[%parallel_loop3A_464, %parallel_loop3A_465] {strides = array<i32>} : memref<200x64xf32, #tpu.memory_space<vmem>>, vector<1x32xf32>,
        %parallel_loop3A_467 = vector.shape_cast %parallel_loop3A_466 : vector<1x32xf32> to vector<32xf32>
        %parallel_loop3A_468 = arith.index_cast %parallel_loop3A_449 : i32 to index
        %parallel_loop3A_469 = arith.constant 32 : index
        %parallel_loop3A_470 = tpu.vector_load %arg7[%parallel_loop3A_468, %parallel_loop3A_469] {strides = array<i32>} : memref<200x64xf32, #tpu.memory_space<vmem>>, vector<1x32xf32>,
        %parallel_loop3A_471 = vector.shape_cast %parallel_loop3A_470 : vector<1x32xf32> to vector<32xf32>
        %parallel_loop3A_472 = arith.addf %parallel_loop3A_467, %parallel_loop3A_471 : vector<32xf32>
        %parallel_loop3A_473 = arith.index_cast %parallel_loop3A_449 : i32 to index
        %parallel_loop3A_474 = arith.constant 32 : index
        %parallel_loop3A_475 = tpu.vector_load %arg8[%parallel_loop3A_473, %parallel_loop3A_474] {strides = array<i32>} : memref<200x64xf32, #tpu.memory_space<vmem>>, vector<1x32xf32>,
        %parallel_loop3A_476 = vector.shape_cast %parallel_loop3A_475 : vector<1x32xf32> to vector<32xf32>
        %parallel_loop3A_477 = vector.shape_cast %parallel_loop3A_472 : vector<32xf32> to vector<1x32xf32>
        tpu.vector_store %arg8[%parallel_loop3A_473, %parallel_loop3A_474], %parallel_loop3A_477 {strides = array<i32>} : memref<200x64xf32, #tpu.memory_space<vmem>>, vector<1x32xf32>,
      } {sc.loop_unroll_factor = 4 : i64, sc.parallel_access}
      %mul3A_379 = arith.constant 200 : i32
      %mul3A_380 = arith.muli %add3A_324, %mul3A_379 : i32
      %add3A_381 = arith.addi %mul3A_2, %mul3A_380 : i32
      %dma_start3A_382 = arith.constant 0 : i32
      %dma_start3A_383 = tpu.memref_slice %arg5[%add3A_381, %dma_start3A_382] : memref<819200x64xf32, #tpu.memory_space<hbm>> -> memref<200x64xf32, #tpu.memory_space<hbm>>
      %dma_start3A_384 = arith.constant 0 : i32
      %dma_start3A_385 = tpu.memref_slice %arg5[%add3A_381, %dma_start3A_384] : memref<819200x64xf32, #tpu.memory_space<hbm>> -> memref<200x64xf32, #tpu.memory_space<hbm>>
      tpu.enqueue_dma source(%arg8 : memref<200x64xf32, #tpu.memory_space<vmem>>) target(%dma_start3A_385 : memref<200x64xf32, #tpu.memory_space<hbm>>) target_semaphore(%arg16 : memref<!tpu.dma_semaphore, #tpu.memory_space<semaphore_mem>>)
      %add3A_386 = arith.constant 3 : i32
      %add3A_387 = arith.addi %add3A_197, %add3A_386 : i32
      %sub3A_388 = arith.constant 2 : i32
      %sub3A_389 = arith.subi %add3A_387, %sub3A_388 : i32
      %mul3A_390 = arith.constant 200 : i32
      %mul3A_391 = arith.muli %sub3A_389, %mul3A_390 : i32
      %add3A_392 = arith.addi %mul3A_2, %mul3A_391 : i32
      %dma_wait3A_393 = arith.constant 0 : i32
      %dma_wait3A_394 = tpu.memref_slice %arg5[%add3A_392, %dma_wait3A_393] : memref<819200x64xf32, #tpu.memory_space<hbm>> -> memref<200x64xf32, #tpu.memory_space<hbm>>
      %dma_wait3A_395 = arith.constant 0 : i32
      %dma_wait3A_396 = tpu.memref_slice %arg5[%add3A_392, %dma_wait3A_395] : memref<819200x64xf32, #tpu.memory_space<hbm>> -> memref<200x64xf32, #tpu.memory_space<hbm>>
      tpu.wait_dma2 semaphore(%arg19 : memref<!tpu.dma_semaphore, #tpu.memory_space<semaphore_mem>>) src(%arg11 : memref<200x64xf32, #tpu.memory_space<vmem>>) dst(%dma_wait3A_396 : memref<200x64xf32, #tpu.memory_space<hbm>>)
      %add3A_397 = arith.constant 2 : i32
      %add3A_398 = arith.addi %add3A_387, %add3A_397 : i32
      %mul3A_399 = arith.constant 200 : i32
      %mul3A_400 = arith.muli %add3A_398, %mul3A_399 : i32
      %add3A_401 = arith.constant 0 : i32
      %add3A_402 = arith.addi %mul3A_400, %add3A_401 : i32
      %add3A_403 = arith.constant 128 : i32
      %add3A_404 = arith.addi %mul3A_400, %add3A_403 : i32
      %dma_start3A_405 = arith.constant 0 : i32
      %dma_start3A_406 = arith.constant 0 : i32
      %dma_start3A_407 = tpu.memref_slice %arg11[%dma_start3A_405, %dma_start3A_406] : memref<200x64xf32, #tpu.memory_space<vmem>> -> memref<128x64xf32, #tpu.memory_space<vmem>>
      %dma_start3A_408 = tpu.memref_slice %arg6[%add3A_402] : memref<25600xi32, #tpu.memory_space<vmem>> -> memref<128xi32, #tpu.memory_space<vmem>>
      %dma_start3A_409 = arith.constant 0 : i32
      %dma_start3A_410 = arith.constant 0 : i32
      %dma_start3A_411 = tpu.memref_slice %arg3[%dma_start3A_409, %dma_start3A_410] : memref<1000000x64xf32, #tpu.memory_space<hbm>> -> memref<1000000x64xf32, #tpu.memory_space<hbm>>
      tpu.enqueue_indirect_dma source(%dma_start3A_411 : memref<1000000x64xf32, #tpu.memory_space<hbm>>) target(%dma_start3A_407 : memref<128x64xf32, #tpu.memory_space<vmem>>) offsets(%dma_start3A_408 : memref<128xi32, #tpu.memory_space<vmem>>) semaphore(%arg15 : memref<!tpu.dma_semaphore, #tpu.memory_space<semaphore_mem>>)
      %dma_start3A_412 = arith.constant 128 : i32
      %dma_start3A_413 = arith.constant 0 : i32
      %dma_start3A_414 = tpu.memref_slice %arg11[%dma_start3A_412, %dma_start3A_413] : memref<200x64xf32, #tpu.memory_space<vmem>> -> memref<72x64xf32, #tpu.memory_space<vmem>>
      %dma_start3A_415 = tpu.memref_slice %arg6[%add3A_404] : memref<25600xi32, #tpu.memory_space<vmem>> -> memref<72xi32, #tpu.memory_space<vmem>>
      %dma_start3A_416 = arith.constant 0 : i32
      %dma_start3A_417 = arith.constant 0 : i32
      %dma_start3A_418 = tpu.memref_slice %arg3[%dma_start3A_416, %dma_start3A_417] : memref<1000000x64xf32, #tpu.memory_space<hbm>> -> memref<1000000x64xf32, #tpu.memory_space<hbm>>
      tpu.enqueue_indirect_dma source(%dma_start3A_418 : memref<1000000x64xf32, #tpu.memory_space<hbm>>) target(%dma_start3A_414 : memref<72x64xf32, #tpu.memory_space<vmem>>) offsets(%dma_start3A_415 : memref<72xi32, #tpu.memory_space<vmem>>) semaphore(%arg15 : memref<!tpu.dma_semaphore, #tpu.memory_space<semaphore_mem>>)
      %mul3A_419 = arith.constant 200 : i32
      %mul3A_420 = arith.muli %add3A_387, %mul3A_419 : i32
      %add3A_421 = arith.constant 0 : i32
      %add3A_422 = arith.addi %mul3A_420, %add3A_421 : i32
      %add3A_423 = arith.constant 128 : i32
      %add3A_424 = arith.addi %mul3A_420, %add3A_423 : i32
      %dma_wait3A_425 = arith.constant 0 : i32
      %dma_wait3A_426 = arith.constant 0 : i32
      %dma_wait3A_427 = tpu.memref_slice %arg9[%dma_wait3A_425, %dma_wait3A_426] : memref<200x64xf32, #tpu.memory_space<vmem>> -> memref<128x64xf32, #tpu.memory_space<vmem>>
      %dma_wait3A_428 = tpu.memref_slice %arg6[%add3A_422] : memref<25600xi32, #tpu.memory_space<vmem>> -> memref<128xi32, #tpu.memory_space<vmem>>
      %dma_wait3A_429 = arith.constant 0 : i32
      %dma_wait3A_430 = arith.constant 0 : i32
      %dma_wait3A_431 = tpu.memref_slice %arg3[%dma_wait3A_429, %dma_wait3A_430] : memref<1000000x64xf32, #tpu.memory_space<hbm>> -> memref<1000000x64xf32, #tpu.memory_space<hbm>>
      tpu.wait_indirect_dma semaphore(%arg13 : memref<!tpu.dma_semaphore, #tpu.memory_space<semaphore_mem>>) src(%dma_wait3A_431 : memref<1000000x64xf32, #tpu.memory_space<hbm>>) dst(%dma_wait3A_427 : memref<128x64xf32, #tpu.memory_space<vmem>>)
      %dma_wait3A_432 = arith.constant 128 : i32
      %dma_wait3A_433 = arith.constant 0 : i32
      %dma_wait3A_434 = tpu.memref_slice %arg9[%dma_wait3A_432, %dma_wait3A_433] : memref<200x64xf32, #tpu.memory_space<vmem>> -> memref<72x64xf32, #tpu.memory_space<vmem>>
      %dma_wait3A_435 = tpu.memref_slice %arg6[%add3A_424] : memref<25600xi32, #tpu.memory_space<vmem>> -> memref<72xi32, #tpu.memory_space<vmem>>
      %dma_wait3A_436 = arith.constant 0 : i32
      %dma_wait3A_437 = arith.constant 0 : i32
      %dma_wait3A_438 = tpu.memref_slice %arg3[%dma_wait3A_436, %dma_wait3A_437] : memref<1000000x64xf32, #tpu.memory_space<hbm>> -> memref<1000000x64xf32, #tpu.memory_space<hbm>>
      tpu.wait_indirect_dma semaphore(%arg13 : memref<!tpu.dma_semaphore, #tpu.memory_space<semaphore_mem>>) src(%dma_wait3A_438 : memref<1000000x64xf32, #tpu.memory_space<hbm>>) dst(%dma_wait3A_434 : memref<72x64xf32, #tpu.memory_space<vmem>>)
      %parallel_loop3A_439 = arith.constant 0 : i32
      %parallel_loop3A_440 = arith.constant 200 : i32
      %parallel_loop3A_441 = arith.constant 1 : i32
      scf.for %parallel_loop3A_449 = %parallel_loop3A_439 to %parallel_loop3A_440 step %parallel_loop3A_441  : i32 {
        %parallel_loop3A_450 = arith.index_cast %parallel_loop3A_449 : i32 to index
        %parallel_loop3A_451 = arith.constant 0 : index
        %parallel_loop3A_452 = tpu.vector_load %arg9[%parallel_loop3A_450, %parallel_loop3A_451] {strides = array<i32>} : memref<200x64xf32, #tpu.memory_space<vmem>>, vector<1x32xf32>,
        %parallel_loop3A_453 = vector.shape_cast %parallel_loop3A_452 : vector<1x32xf32> to vector<32xf32>
        %parallel_loop3A_454 = arith.index_cast %parallel_loop3A_449 : i32 to index
        %parallel_loop3A_455 = arith.constant 0 : index
        %parallel_loop3A_456 = tpu.vector_load %arg7[%parallel_loop3A_454, %parallel_loop3A_455] {strides = array<i32>} : memref<200x64xf32, #tpu.memory_space<vmem>>, vector<1x32xf32>,
        %parallel_loop3A_457 = vector.shape_cast %parallel_loop3A_456 : vector<1x32xf32> to vector<32xf32>
        %parallel_loop3A_458 = arith.addf %parallel_loop3A_453, %parallel_loop3A_457 : vector<32xf32>
        %parallel_loop3A_459 = arith.index_cast %parallel_loop3A_449 : i32 to index
        %parallel_loop3A_460 = arith.constant 0 : index
        %parallel_loop3A_461 = tpu.vector_load %arg9[%parallel_loop3A_459, %parallel_loop3A_460] {strides = array<i32>} : memref<200x64xf32, #tpu.memory_space<vmem>>, vector<1x32xf32>,
        %parallel_loop3A_462 = vector.shape_cast %parallel_loop3A_461 : vector<1x32xf32> to vector<32xf32>
        %parallel_loop3A_463 = vector.shape_cast %parallel_loop3A_458 : vector<32xf32> to vector<1x32xf32>
        tpu.vector_store %arg9[%parallel_loop3A_459, %parallel_loop3A_460], %parallel_loop3A_463 {strides = array<i32>} : memref<200x64xf32, #tpu.memory_space<vmem>>, vector<1x32xf32>,
        %parallel_loop3A_464 = arith.index_cast %parallel_loop3A_449 : i32 to index
        %parallel_loop3A_465 = arith.constant 32 : index
        %parallel_loop3A_466 = tpu.vector_load %arg9[%parallel_loop3A_464, %parallel_loop3A_465] {strides = array<i32>} : memref<200x64xf32, #tpu.memory_space<vmem>>, vector<1x32xf32>,
        %parallel_loop3A_467 = vector.shape_cast %parallel_loop3A_466 : vector<1x32xf32> to vector<32xf32>
        %parallel_loop3A_468 = arith.index_cast %parallel_loop3A_449 : i32 to index
        %parallel_loop3A_469 = arith.constant 32 : index
        %parallel_loop3A_470 = tpu.vector_load %arg7[%parallel_loop3A_468, %parallel_loop3A_469] {strides = array<i32>} : memref<200x64xf32, #tpu.memory_space<vmem>>, vector<1x32xf32>,
        %parallel_loop3A_471 = vector.shape_cast %parallel_loop3A_470 : vector<1x32xf32> to vector<32xf32>
        %parallel_loop3A_472 = arith.addf %parallel_loop3A_467, %parallel_loop3A_471 : vector<32xf32>
        %parallel_loop3A_473 = arith.index_cast %parallel_loop3A_449 : i32 to index
        %parallel_loop3A_474 = arith.constant 32 : index
        %parallel_loop3A_475 = tpu.vector_load %arg9[%parallel_loop3A_473, %parallel_loop3A_474] {strides = array<i32>} : memref<200x64xf32, #tpu.memory_space<vmem>>, vector<1x32xf32>,
        %parallel_loop3A_476 = vector.shape_cast %parallel_loop3A_475 : vector<1x32xf32> to vector<32xf32>
        %parallel_loop3A_477 = vector.shape_cast %parallel_loop3A_472 : vector<32xf32> to vector<1x32xf32>
        tpu.vector_store %arg9[%parallel_loop3A_473, %parallel_loop3A_474], %parallel_loop3A_477 {strides = array<i32>} : memref<200x64xf32, #tpu.memory_space<vmem>>, vector<1x32xf32>,
      } {sc.loop_unroll_factor = 4 : i64, sc.parallel_access}
      %mul3A_442 = arith.constant 200 : i32
      %mul3A_443 = arith.muli %add3A_387, %mul3A_442 : i32
      %add3A_444 = arith.addi %mul3A_2, %mul3A_443 : i32
      %dma_start3A_445 = arith.constant 0 : i32
      %dma_start3A_446 = tpu.memref_slice %arg5[%add3A_444, %dma_start3A_445] : memref<819200x64xf32, #tpu.memory_space<hbm>> -> memref<200x64xf32, #tpu.memory_space<hbm>>
      %dma_start3A_447 = arith.constant 0 : i32
      %dma_start3A_448 = tpu.memref_slice %arg5[%add3A_444, %dma_start3A_447] : memref<819200x64xf32, #tpu.memory_space<hbm>> -> memref<200x64xf32, #tpu.memory_space<hbm>>
      tpu.enqueue_dma source(%arg9 : memref<200x64xf32, #tpu.memory_space<vmem>>) target(%dma_start3A_448 : memref<200x64xf32, #tpu.memory_space<hbm>>) target_semaphore(%arg17 : memref<!tpu.dma_semaphore, #tpu.memory_space<semaphore_mem>>)
    }
    %scan3A_118 = arith.constant 31 : i32
    %dma_wait3A_119 = arith.constant 0 : i32
    %dma_wait3A_120 = arith.constant 0 : i32
    %dma_wait3A_121 = tpu.memref_slice %arg10[%dma_wait3A_119, %dma_wait3A_120] : memref<200x64xf32, #tpu.memory_space<vmem>> -> memref<128x64xf32, #tpu.memory_space<vmem>>
    %dma_wait3A_122 = arith.constant 25200 : i32
    %dma_wait3A_123 = tpu.memref_slice %arg6[%dma_wait3A_122] : memref<25600xi32, #tpu.memory_space<vmem>> -> memref<128xi32, #tpu.memory_space<vmem>>
    %dma_wait3A_124 = arith.constant 0 : i32
    %dma_wait3A_125 = arith.constant 0 : i32
    %dma_wait3A_126 = tpu.memref_slice %arg3[%dma_wait3A_124, %dma_wait3A_125] : memref<1000000x64xf32, #tpu.memory_space<hbm>> -> memref<1000000x64xf32, #tpu.memory_space<hbm>>
    tpu.wait_indirect_dma semaphore(%arg14 : memref<!tpu.dma_semaphore, #tpu.memory_space<semaphore_mem>>) src(%dma_wait3A_126 : memref<1000000x64xf32, #tpu.memory_space<hbm>>) dst(%dma_wait3A_121 : memref<128x64xf32, #tpu.memory_space<vmem>>)
    %dma_wait3A_127 = arith.constant 128 : i32
    %dma_wait3A_128 = arith.constant 0 : i32
    %dma_wait3A_129 = tpu.memref_slice %arg10[%dma_wait3A_127, %dma_wait3A_128] : memref<200x64xf32, #tpu.memory_space<vmem>> -> memref<72x64xf32, #tpu.memory_space<vmem>>
    %dma_wait3A_130 = arith.constant 25328 : i32
    %dma_wait3A_131 = tpu.memref_slice %arg6[%dma_wait3A_130] : memref<25600xi32, #tpu.memory_space<vmem>> -> memref<72xi32, #tpu.memory_space<vmem>>
    %dma_wait3A_132 = arith.constant 0 : i32
    %dma_wait3A_133 = arith.constant 0 : i32
    %dma_wait3A_134 = tpu.memref_slice %arg3[%dma_wait3A_132, %dma_wait3A_133] : memref<1000000x64xf32, #tpu.memory_space<hbm>> -> memref<1000000x64xf32, #tpu.memory_space<hbm>>
    tpu.wait_indirect_dma semaphore(%arg14 : memref<!tpu.dma_semaphore, #tpu.memory_space<semaphore_mem>>) src(%dma_wait3A_134 : memref<1000000x64xf32, #tpu.memory_space<hbm>>) dst(%dma_wait3A_129 : memref<72x64xf32, #tpu.memory_space<vmem>>)
    %parallel_loop3A_135 = arith.constant 0 : i32
    %parallel_loop3A_136 = arith.constant 200 : i32
    %parallel_loop3A_137 = arith.constant 1 : i32
    scf.for %parallel_loop3A_193 = %parallel_loop3A_135 to %parallel_loop3A_136 step %parallel_loop3A_137  : i32 {
      %parallel_loop3A_194 = arith.index_cast %parallel_loop3A_193 : i32 to index
      %parallel_loop3A_195 = arith.constant 0 : index
      %parallel_loop3A_196 = tpu.vector_load %arg10[%parallel_loop3A_194, %parallel_loop3A_195] {strides = array<i32>} : memref<200x64xf32, #tpu.memory_space<vmem>>, vector<1x32xf32>,
      %parallel_loop3A_197 = vector.shape_cast %parallel_loop3A_196 : vector<1x32xf32> to vector<32xf32>
      %parallel_loop3A_198 = arith.index_cast %parallel_loop3A_193 : i32 to index
      %parallel_loop3A_199 = arith.constant 0 : index
      %parallel_loop3A_200 = tpu.vector_load %arg7[%parallel_loop3A_198, %parallel_loop3A_199] {strides = array<i32>} : memref<200x64xf32, #tpu.memory_space<vmem>>, vector<1x32xf32>,
      %parallel_loop3A_201 = vector.shape_cast %parallel_loop3A_200 : vector<1x32xf32> to vector<32xf32>
      %parallel_loop3A_202 = arith.addf %parallel_loop3A_197, %parallel_loop3A_201 : vector<32xf32>
      %parallel_loop3A_203 = arith.index_cast %parallel_loop3A_193 : i32 to index
      %parallel_loop3A_204 = arith.constant 0 : index
      %parallel_loop3A_205 = tpu.vector_load %arg10[%parallel_loop3A_203, %parallel_loop3A_204] {strides = array<i32>} : memref<200x64xf32, #tpu.memory_space<vmem>>, vector<1x32xf32>,
      %parallel_loop3A_206 = vector.shape_cast %parallel_loop3A_205 : vector<1x32xf32> to vector<32xf32>
      %parallel_loop3A_207 = vector.shape_cast %parallel_loop3A_202 : vector<32xf32> to vector<1x32xf32>
      tpu.vector_store %arg10[%parallel_loop3A_203, %parallel_loop3A_204], %parallel_loop3A_207 {strides = array<i32>} : memref<200x64xf32, #tpu.memory_space<vmem>>, vector<1x32xf32>,
      %parallel_loop3A_208 = arith.index_cast %parallel_loop3A_193 : i32 to index
      %parallel_loop3A_209 = arith.constant 32 : index
      %parallel_loop3A_210 = tpu.vector_load %arg10[%parallel_loop3A_208, %parallel_loop3A_209] {strides = array<i32>} : memref<200x64xf32, #tpu.memory_space<vmem>>, vector<1x32xf32>,
      %parallel_loop3A_211 = vector.shape_cast %parallel_loop3A_210 : vector<1x32xf32> to vector<32xf32>
      %parallel_loop3A_212 = arith.index_cast %parallel_loop3A_193 : i32 to index
      %parallel_loop3A_213 = arith.constant 32 : index
      %parallel_loop3A_214 = tpu.vector_load %arg7[%parallel_loop3A_212, %parallel_loop3A_213] {strides = array<i32>} : memref<200x64xf32, #tpu.memory_space<vmem>>, vector<1x32xf32>,
      %parallel_loop3A_215 = vector.shape_cast %parallel_loop3A_214 : vector<1x32xf32> to vector<32xf32>
      %parallel_loop3A_216 = arith.addf %parallel_loop3A_211, %parallel_loop3A_215 : vector<32xf32>
      %parallel_loop3A_217 = arith.index_cast %parallel_loop3A_193 : i32 to index
      %parallel_loop3A_218 = arith.constant 32 : index
      %parallel_loop3A_219 = tpu.vector_load %arg10[%parallel_loop3A_217, %parallel_loop3A_218] {strides = array<i32>} : memref<200x64xf32, #tpu.memory_space<vmem>>, vector<1x32xf32>,
      %parallel_loop3A_220 = vector.shape_cast %parallel_loop3A_219 : vector<1x32xf32> to vector<32xf32>
      %parallel_loop3A_221 = vector.shape_cast %parallel_loop3A_216 : vector<32xf32> to vector<1x32xf32>
      tpu.vector_store %arg10[%parallel_loop3A_217, %parallel_loop3A_218], %parallel_loop3A_221 {strides = array<i32>} : memref<200x64xf32, #tpu.memory_space<vmem>>, vector<1x32xf32>,
    } {sc.loop_unroll_factor = 4 : i64, sc.parallel_access}
    %add3A_138 = arith.constant 25200 : i32
    %add3A_139 = arith.addi %mul3A_2, %add3A_138 : i32
    %dma_start3A_140 = arith.constant 0 : i32
    %dma_start3A_141 = tpu.memref_slice %arg5[%add3A_139, %dma_start3A_140] : memref<819200x64xf32, #tpu.memory_space<hbm>> -> memref<200x64xf32, #tpu.memory_space<hbm>>
    %dma_start3A_142 = arith.constant 0 : i32
    %dma_start3A_143 = tpu.memref_slice %arg5[%add3A_139, %dma_start3A_142] : memref<819200x64xf32, #tpu.memory_space<hbm>> -> memref<200x64xf32, #tpu.memory_space<hbm>>
    tpu.enqueue_dma source(%arg10 : memref<200x64xf32, #tpu.memory_space<vmem>>) target(%dma_start3A_143 : memref<200x64xf32, #tpu.memory_space<hbm>>) target_semaphore(%arg18 : memref<!tpu.dma_semaphore, #tpu.memory_space<semaphore_mem>>)
    %dma_wait3A_144 = arith.constant 0 : i32
    %dma_wait3A_145 = arith.constant 0 : i32
    %dma_wait3A_146 = tpu.memref_slice %arg11[%dma_wait3A_144, %dma_wait3A_145] : memref<200x64xf32, #tpu.memory_space<vmem>> -> memref<128x64xf32, #tpu.memory_space<vmem>>
    %dma_wait3A_147 = arith.constant 25400 : i32
    %dma_wait3A_148 = tpu.memref_slice %arg6[%dma_wait3A_147] : memref<25600xi32, #tpu.memory_space<vmem>> -> memref<128xi32, #tpu.memory_space<vmem>>
    %dma_wait3A_149 = arith.constant 0 : i32
    %dma_wait3A_150 = arith.constant 0 : i32
    %dma_wait3A_151 = tpu.memref_slice %arg3[%dma_wait3A_149, %dma_wait3A_150] : memref<1000000x64xf32, #tpu.memory_space<hbm>> -> memref<1000000x64xf32, #tpu.memory_space<hbm>>
    tpu.wait_indirect_dma semaphore(%arg15 : memref<!tpu.dma_semaphore, #tpu.memory_space<semaphore_mem>>) src(%dma_wait3A_151 : memref<1000000x64xf32, #tpu.memory_space<hbm>>) dst(%dma_wait3A_146 : memref<128x64xf32, #tpu.memory_space<vmem>>)
    %dma_wait3A_152 = arith.constant 128 : i32
    %dma_wait3A_153 = arith.constant 0 : i32
    %dma_wait3A_154 = tpu.memref_slice %arg11[%dma_wait3A_152, %dma_wait3A_153] : memref<200x64xf32, #tpu.memory_space<vmem>> -> memref<72x64xf32, #tpu.memory_space<vmem>>
    %dma_wait3A_155 = arith.constant 25528 : i32
    %dma_wait3A_156 = tpu.memref_slice %arg6[%dma_wait3A_155] : memref<25600xi32, #tpu.memory_space<vmem>> -> memref<72xi32, #tpu.memory_space<vmem>>
    %dma_wait3A_157 = arith.constant 0 : i32
    %dma_wait3A_158 = arith.constant 0 : i32
    %dma_wait3A_159 = tpu.memref_slice %arg3[%dma_wait3A_157, %dma_wait3A_158] : memref<1000000x64xf32, #tpu.memory_space<hbm>> -> memref<1000000x64xf32, #tpu.memory_space<hbm>>
    tpu.wait_indirect_dma semaphore(%arg15 : memref<!tpu.dma_semaphore, #tpu.memory_space<semaphore_mem>>) src(%dma_wait3A_159 : memref<1000000x64xf32, #tpu.memory_space<hbm>>) dst(%dma_wait3A_154 : memref<72x64xf32, #tpu.memory_space<vmem>>)
    %parallel_loop3A_160 = arith.constant 0 : i32
    %parallel_loop3A_161 = arith.constant 200 : i32
    %parallel_loop3A_162 = arith.constant 1 : i32
    scf.for %parallel_loop3A_193 = %parallel_loop3A_160 to %parallel_loop3A_161 step %parallel_loop3A_162  : i32 {
      %parallel_loop3A_194 = arith.index_cast %parallel_loop3A_193 : i32 to index
      %parallel_loop3A_195 = arith.constant 0 : index
      %parallel_loop3A_196 = tpu.vector_load %arg11[%parallel_loop3A_194, %parallel_loop3A_195] {strides = array<i32>} : memref<200x64xf32, #tpu.memory_space<vmem>>, vector<1x32xf32>,
      %parallel_loop3A_197 = vector.shape_cast %parallel_loop3A_196 : vector<1x32xf32> to vector<32xf32>
      %parallel_loop3A_198 = arith.index_cast %parallel_loop3A_193 : i32 to index
      %parallel_loop3A_199 = arith.constant 0 : index
      %parallel_loop3A_200 = tpu.vector_load %arg7[%parallel_loop3A_198, %parallel_loop3A_199] {strides = array<i32>} : memref<200x64xf32, #tpu.memory_space<vmem>>, vector<1x32xf32>,
      %parallel_loop3A_201 = vector.shape_cast %parallel_loop3A_200 : vector<1x32xf32> to vector<32xf32>
      %parallel_loop3A_202 = arith.addf %parallel_loop3A_197, %parallel_loop3A_201 : vector<32xf32>
      %parallel_loop3A_203 = arith.index_cast %parallel_loop3A_193 : i32 to index
      %parallel_loop3A_204 = arith.constant 0 : index
      %parallel_loop3A_205 = tpu.vector_load %arg11[%parallel_loop3A_203, %parallel_loop3A_204] {strides = array<i32>} : memref<200x64xf32, #tpu.memory_space<vmem>>, vector<1x32xf32>,
      %parallel_loop3A_206 = vector.shape_cast %parallel_loop3A_205 : vector<1x32xf32> to vector<32xf32>
      %parallel_loop3A_207 = vector.shape_cast %parallel_loop3A_202 : vector<32xf32> to vector<1x32xf32>
      tpu.vector_store %arg11[%parallel_loop3A_203, %parallel_loop3A_204], %parallel_loop3A_207 {strides = array<i32>} : memref<200x64xf32, #tpu.memory_space<vmem>>, vector<1x32xf32>,
      %parallel_loop3A_208 = arith.index_cast %parallel_loop3A_193 : i32 to index
      %parallel_loop3A_209 = arith.constant 32 : index
      %parallel_loop3A_210 = tpu.vector_load %arg11[%parallel_loop3A_208, %parallel_loop3A_209] {strides = array<i32>} : memref<200x64xf32, #tpu.memory_space<vmem>>, vector<1x32xf32>,
      %parallel_loop3A_211 = vector.shape_cast %parallel_loop3A_210 : vector<1x32xf32> to vector<32xf32>
      %parallel_loop3A_212 = arith.index_cast %parallel_loop3A_193 : i32 to index
      %parallel_loop3A_213 = arith.constant 32 : index
      %parallel_loop3A_214 = tpu.vector_load %arg7[%parallel_loop3A_212, %parallel_loop3A_213] {strides = array<i32>} : memref<200x64xf32, #tpu.memory_space<vmem>>, vector<1x32xf32>,
      %parallel_loop3A_215 = vector.shape_cast %parallel_loop3A_214 : vector<1x32xf32> to vector<32xf32>
      %parallel_loop3A_216 = arith.addf %parallel_loop3A_211, %parallel_loop3A_215 : vector<32xf32>
      %parallel_loop3A_217 = arith.index_cast %parallel_loop3A_193 : i32 to index
      %parallel_loop3A_218 = arith.constant 32 : index
      %parallel_loop3A_219 = tpu.vector_load %arg11[%parallel_loop3A_217, %parallel_loop3A_218] {strides = array<i32>} : memref<200x64xf32, #tpu.memory_space<vmem>>, vector<1x32xf32>,
      %parallel_loop3A_220 = vector.shape_cast %parallel_loop3A_219 : vector<1x32xf32> to vector<32xf32>
      %parallel_loop3A_221 = vector.shape_cast %parallel_loop3A_216 : vector<32xf32> to vector<1x32xf32>
      tpu.vector_store %arg11[%parallel_loop3A_217, %parallel_loop3A_218], %parallel_loop3A_221 {strides = array<i32>} : memref<200x64xf32, #tpu.memory_space<vmem>>, vector<1x32xf32>,
    } {sc.loop_unroll_factor = 4 : i64, sc.parallel_access}
    %add3A_163 = arith.constant 25400 : i32
    %add3A_164 = arith.addi %mul3A_2, %add3A_163 : i32
    %dma_start3A_165 = arith.constant 0 : i32
    %dma_start3A_166 = tpu.memref_slice %arg5[%add3A_164, %dma_start3A_165] : memref<819200x64xf32, #tpu.memory_space<hbm>> -> memref<200x64xf32, #tpu.memory_space<hbm>>
    %dma_start3A_167 = arith.constant 0 : i32
    %dma_start3A_168 = tpu.memref_slice %arg5[%add3A_164, %dma_start3A_167] : memref<819200x64xf32, #tpu.memory_space<hbm>> -> memref<200x64xf32, #tpu.memory_space<hbm>>
    tpu.enqueue_dma source(%arg11 : memref<200x64xf32, #tpu.memory_space<vmem>>) target(%dma_start3A_168 : memref<200x64xf32, #tpu.memory_space<hbm>>) target_semaphore(%arg19 : memref<!tpu.dma_semaphore, #tpu.memory_space<semaphore_mem>>)
    %add3A_169 = arith.constant 24800 : i32
    %add3A_170 = arith.addi %mul3A_2, %add3A_169 : i32
    %dma_wait3A_171 = arith.constant 0 : i32
    %dma_wait3A_172 = tpu.memref_slice %arg5[%add3A_170, %dma_wait3A_171] : memref<819200x64xf32, #tpu.memory_space<hbm>> -> memref<200x64xf32, #tpu.memory_space<hbm>>
    %dma_wait3A_173 = arith.constant 0 : i32
    %dma_wait3A_174 = tpu.memref_slice %arg5[%add3A_170, %dma_wait3A_173] : memref<819200x64xf32, #tpu.memory_space<hbm>> -> memref<200x64xf32, #tpu.memory_space<hbm>>
    tpu.wait_dma2 semaphore(%arg16 : memref<!tpu.dma_semaphore, #tpu.memory_space<semaphore_mem>>) src(%arg8 : memref<200x64xf32, #tpu.memory_space<vmem>>) dst(%dma_wait3A_174 : memref<200x64xf32, #tpu.memory_space<hbm>>)
    %add3A_175 = arith.constant 25000 : i32
    %add3A_176 = arith.addi %mul3A_2, %add3A_175 : i32
    %dma_wait3A_177 = arith.constant 0 : i32
    %dma_wait3A_178 = tpu.memref_slice %arg5[%add3A_176, %dma_wait3A_177] : memref<819200x64xf32, #tpu.memory_space<hbm>> -> memref<200x64xf32, #tpu.memory_space<hbm>>
    %dma_wait3A_179 = arith.constant 0 : i32
    %dma_wait3A_180 = tpu.memref_slice %arg5[%add3A_176, %dma_wait3A_179] : memref<819200x64xf32, #tpu.memory_space<hbm>> -> memref<200x64xf32, #tpu.memory_space<hbm>>
    tpu.wait_dma2 semaphore(%arg17 : memref<!tpu.dma_semaphore, #tpu.memory_space<semaphore_mem>>) src(%arg9 : memref<200x64xf32, #tpu.memory_space<vmem>>) dst(%dma_wait3A_180 : memref<200x64xf32, #tpu.memory_space<hbm>>)
    %add3A_181 = arith.constant 25200 : i32
    %add3A_182 = arith.addi %mul3A_2, %add3A_181 : i32
    %dma_wait3A_183 = arith.constant 0 : i32
    %dma_wait3A_184 = tpu.memref_slice %arg5[%add3A_182, %dma_wait3A_183] : memref<819200x64xf32, #tpu.memory_space<hbm>> -> memref<200x64xf32, #tpu.memory_space<hbm>>
    %dma_wait3A_185 = arith.constant 0 : i32
    %dma_wait3A_186 = tpu.memref_slice %arg5[%add3A_182, %dma_wait3A_185] : memref<819200x64xf32, #tpu.memory_space<hbm>> -> memref<200x64xf32, #tpu.memory_space<hbm>>
    tpu.wait_dma2 semaphore(%arg18 : memref<!tpu.dma_semaphore, #tpu.memory_space<semaphore_mem>>) src(%arg10 : memref<200x64xf32, #tpu.memory_space<vmem>>) dst(%dma_wait3A_186 : memref<200x64xf32, #tpu.memory_space<hbm>>)
    %add3A_187 = arith.constant 25400 : i32
    %add3A_188 = arith.addi %mul3A_2, %add3A_187 : i32
    %dma_wait3A_189 = arith.constant 0 : i32
    %dma_wait3A_190 = tpu.memref_slice %arg5[%add3A_188, %dma_wait3A_189] : memref<819200x64xf32, #tpu.memory_space<hbm>> -> memref<200x64xf32, #tpu.memory_space<hbm>>
    %dma_wait3A_191 = arith.constant 0 : i32
    %dma_wait3A_192 = tpu.memref_slice %arg5[%add3A_188, %dma_wait3A_191] : memref<819200x64xf32, #tpu.memory_space<hbm>> -> memref<200x64xf32, #tpu.memory_space<hbm>>
    tpu.wait_dma2 semaphore(%arg19 : memref<!tpu.dma_semaphore, #tpu.memory_space<semaphore_mem>>) src(%arg11 : memref<200x64xf32, #tpu.memory_space<vmem>>) dst(%dma_wait3A_192 : memref<200x64xf32, #tpu.memory_space<hbm>>)
    return
  }
}

</mosaic_0001>

<sc_bundles>
// kernel: kernel.3.cloned.1.call-start
scs
__scs_entry_jumppad:
0x0: {  	(pc) =	sbr.rel $0x88, $3  }
0x1: {  	(tag) =	ssettag $0x0;
	lr =	simm.s32 $0x1  }
0x2: {  	[smem:$0x3F9E] =	sst lr;
	_ =	strace $0xD0000000  }
0x3: {  	_ = 	snop  }
0x4: {  	_ = 	snop  }
0x5: {  	_ = 	snop  }
0x6: {  	_ = 	snop  }
0x7: {  	_ = 	snop  }
__scs_overlays_trampoline_lowered:
0x8: {  	[smem:$0x3FAD] =	sst s0  }
0x9: {  	[smem:$0x3FAE] =	sst s1  }
0xa: {  	[smem:$0x3FAF] =	sst s2  }
0xb: {  	[smem:$0x3FB0] =	sst s3  }
0xc: {  	[smem:$0x3FB1] =	sst s4  }
0xd: {  	[smem:$0x3FB2] =	sst s5  }
0xe: {  	[smem:$0x3FB3] =	sst s6  }
0xf: {  	[smem:$0x3FB4] =	sst s7  }
0x10: {  	[smem:$0x3FB5] =	sst s8  }
0x11: {  	[smem:$0x3FB6] =	sst s9;
	s0 =	simm.s32 @!p0 $0x0  }
0x12: {  	s1 =	sld [smem:$0x3F9C];
	s0 =	simm.s32 @p0 $0x1  }
0x13: {  	[smem:$0x3FB7] =	sst s0;
	s0 =	simm.s32 @!p1 $0x0  }
0x14: {  	s2 =	sld [smem:$0x3F9B];
	s0 =	simm.s32 @p1 $0x1  }
0x15: {  	[smem:$0x3FB8] =	sst s0;
	s0 =	simm.s32 @!p2 $0x0  }
0x16: {  	s3 =	sld [smem:$0x3FDB];
	s0 =	simm.s32 @p2 $0x1  }
0x17: {  	s4 =	simm.s32 $0x1BF5;
	[smem:$0x3FBA] =	sst s0  }
0x18: {  	s0 =	sld [smem:$0x3F9D];
	_ =	swait.ge [sflag:s4], $0x0  }
0x19: {  	s7 =	sld [smem:$0x3F9E]  }
0x1a: {  	s8 =	sadd.s32 $0xFFFFE003, lr  }
0x1b: {  	s9 =	sadd.s32 $0xFFFFFEF7, lr;
	s5 =	simm.s32 $0xFFFFFFFF;
	p2 =	slt.u32 s8, $0xFFFFF086  }
0x1c: {  	p1 =	slt.u32 s9, $0xF7A;
	s5 =	simm.s32 @!p2 $0x0  }
0x1d: {  	s5 =	simm.s32 @p1 $0x1;
	p0 =	seq.s32 s7, s2  }
0x1e: {  	s7 =	smul.u32 @!p0 $0xF7A, s2;
	p2 =	seq.s32 @!p0 s5, $0x0  }
0x1f: {  	s9 =	smul.u32 $0xF7A, s1;
	s8 =	simm.s32 @!p0 $0x1BF5;
	p2 =	por !p2, p0  }
0x20: {  	[sflag:s8] =	ssyncset.s32 @!p0 $0xFFFFF086;
	s6 =	sadd.s32 @!p0 s3, s7;
	s7 =	simm.s32 @!p0 $0x108  }
0x21: {  	s3 =	sadd.s32 s3, s9;
	s6 =	sadd.s32 @!p0 $0x88, s6;
	s7 =	simm.s32 @p2 $0x1082  }
0x22: {  	[simem:s7], [sflag:s8] =	dma.local @!p0 [hbm:s6], $0xF7A  }
0x23: {  	s9 =	sor.u32 $0xD0000000, s2;
	s6 =	simm.s32 $0x108;
	_ =	swait.ge @!p0 [sflag:s8], $0x0  }
0x24: {  	s3 =	sadd.s32 $0x88, s3;
	s6 =	simm.s32 @!p1 $0x1082;
	[sflag:s4] =	ssyncset.s32 $0xFFFFF086  }
0x25: {  	[simem:s6], [sflag:s4] =	dma.local [hbm:s3], $0xF7A  }
0x26: {  	[smem:$0x3F9E] =	sst s1;
	(tag) =	ssettag s2;
	_ =	strace s9  }
0x27: {  	s1 =	sld [smem:$0x3FAE]  }
0x28: {  	s2 =	sld [smem:$0x3FAF]  }
0x29: {  	s4 =	sld [smem:$0x3FB1]  }
0x2a: {  	p0 =	seq.s32 s5, $0x0;
	s5 =	sld [smem:$0x3FB2]  }
0x2b: {  	s6 =	sld [smem:$0x3FB3]  }
0x2c: {  	s7 =	sld [smem:$0x3FB4]  }
0x2d: {  	s3 =	simm.s32 $0x108;
	s8 =	sld [smem:$0x3FB5]  }
0x2e: {  	s3 =	simm.s32 @!p0 $0x1082;
	s9 =	sld [smem:$0x3FB6]  }
0x2f: {  	lr =	sadd.s32 s0, s3;
	s0 =	sld [smem:$0x3FAD]  }
0x30: {  	s3 =	sld [smem:$0x3FB0]  }
0x31: {  	[smem:$0x3FB9] =	sst s10  }
0x32: {  	s10 =	sld [smem:$0x3FB7];
	_ =	sdelay $0x3  }
0x33: {  	p0 =	seq.s32 s10, $0x1;
	s10 =	sld [smem:$0x3FB9];
	_ =	sdelay $0x3  }
0x34: {  	[smem:$0x3FB9] =	sst s10  }
0x35: {  	s10 =	sld [smem:$0x3FB8];
	_ =	sdelay $0x3  }
0x36: {  	p1 =	seq.s32 s10, $0x1;
	s10 =	sld [smem:$0x3FB9];
	_ =	sdelay $0x3  }
0x37: {  	[smem:$0x3FB9] =	sst s10  }
0x38: {  	s10 =	sld [smem:$0x3FBA]  }
0x39: {  	_ = 	snop;
	(pc) =	sbr.ind lr, $3  }
0x3a: {  	_ = 	snop  }
0x3b: {  	_ = 	snop  }
0x3c: {  	p2 =	seq.s32 s10, $0x1;
	s10 =	sld [smem:$0x3FB9]  }
0x3d: {  	_ =	shalt  }
0x3e: {  	_ =	shalt  }
0x3f: {  	_ =	shalt  }
0x40: {  	_ =	shalt  }
0x41: {  	_ =	shalt  }
0x42: {  	_ =	shalt  }
0x43: {  	_ =	shalt  }
0x44: {  	_ =	shalt  }
0x45: {  	_ =	shalt  }
0x46: {  	_ =	shalt  }
0x47: {  	_ =	shalt  }
0x48: {  	_ =	shalt  }
0x49: {  	_ =	shalt  }
0x4a: {  	_ =	shalt  }
0x4b: {  	_ =	shalt  }
0x4c: {  	_ =	shalt  }
0x4d: {  	_ =	shalt  }
0x4e: {  	_ =	shalt  }
0x4f: {  	_ =	shalt  }
0x50: {  	_ =	shalt  }
0x51: {  	_ =	shalt  }
0x52: {  	_ =	shalt  }
0x53: {  	_ =	shalt  }
0x54: {  	_ =	shalt  }
0x55: {  	_ =	shalt  }
0x56: {  	_ =	shalt  }
0x57: {  	_ =	shalt  }
0x58: {  	_ =	shalt  }
0x59: {  	_ =	shalt  }
0x5a: {  	_ =	shalt  }
0x5b: {  	_ =	shalt  }
0x5c: {  	_ =	shalt  }
0x5d: {  	_ =	shalt  }
0x5e: {  	_ =	shalt  }
0x5f: {  	_ =	shalt  }
0x60: {  	_ =	shalt  }
0x61: {  	_ =	shalt  }
0x62: {  	_ =	shalt  }
0x63: {  	_ =	shalt  }
0x64: {  	_ =	shalt  }
0x65: {  	_ =	shalt  }
0x66: {  	_ =	shalt  }
0x67: {  	_ =	shalt  }
0x68: {  	_ =	shalt  }
0x69: {  	_ =	shalt  }
0x6a: {  	_ =	shalt  }
0x6b: {  	_ =	shalt  }
0x6c: {  	_ =	shalt  }
0x6d: {  	_ =	shalt  }
0x6e: {  	_ =	shalt  }
0x6f: {  	_ =	shalt  }
0x70: {  	_ =	shalt  }
0x71: {  	_ =	shalt  }
0x72: {  	_ =	shalt  }
0x73: {  	_ =	shalt  }
0x74: {  	_ =	shalt  }
0x75: {  	_ =	shalt  }
0x76: {  	_ =	shalt  }
0x77: {  	_ =	shalt  }
0x78: {  	_ =	shalt  }
0x79: {  	_ =	shalt  }
0x7a: {  	_ =	shalt  }
0x7b: {  	_ =	shalt  }
0x7c: {  	_ =	shalt  }
0x7d: {  	_ =	shalt  }
0x7e: {  	_ =	shalt  }
0x7f: {  	_ =	shalt  }
0x80: {  	_ =	shalt  }
0x81: {  	_ =	shalt  }
0x82: {  	_ =	shalt  }
0x83: {  	_ =	shalt  }
0x84: {  	_ =	shalt  }
0x85: {  	_ =	shalt  }
0x86: {  	_ =	shalt  }
0x87: {  	_ =	shalt  }
.Lfunc_end0:
.L_simem_size_0:
called_computation.1_lowered:
.L_overlay_start_0:
0x88: {  	s2 =	sld [smem:$0x3FD9]  }
0x89: {  	s3 =	sld [smem:$0x3FFE];
	_ =	sdelay $0x1  }
0x8a: {  	s1 =	srdreg.scid  }
0x8b: {  	s0 =	sand.u32 $0x1, s1  }
0x8c: {  	s17 =	sshll.u32 s0, $0xA;
	s2 =	sadd.s32 s3, s2  }
0x8d: {  	s2 =	sadd.s32 s2, s17  }
0x8e: {  	[smem:$0x3FC5] =	sst s2  }
0x8f: {  	_ = 	snop  }
0x90: {  	s2 =	sld [smem:$0x3FD0];
	(tm) =	ssettm $0x1  }
0x91: {  	s18 =	sld [smem:$0x3FFB];
	_ =	sdelay $0x3  }
0x92: {  	_ =	strace s18  }
0x93: {  	s3 =	sld [smem:$0x3FFC];
	_ =	sdelay $0x3  }
0x94: {  	_ =	strace s3  }
0x95: {  	s3 =	sld [smem:$0x3FFD];
	_ =	sdelay $0x3  }
0x96: {  	_ =	strace s3  }
0x97: {  	_ =	strace $0x8FFFFFFF  }
0x98: {  	s19 =	sld [smem:$0x3FDB];
	_ =	sdelay $0x1  }
0x99: {  	s4 =	simm.s32 $_scs_section_size  }
0x9a: {  	s5 =	simm.s32 $_size__tile_overlayer_lowered;
	s6 =	simm.s32 $_tile_overlayer_lowered  }
0x9b: {  	s22 =	simm.s32 $0x1BFF;
	s21 =	sshll.u32 s6, $0x1;
	s3 =	sadd.s32 s4, s19  }
0x9c: {  	s7 =	simm.s32 $0x0;
	s20 =	sshll.u32 s5, $0x1;
	s5 =	sadd.s32 s21, s3  }
0x9d: {  	[timem:s7], [sflag:s22] =	dma.local [hbm:s5], s20  }
0x9e: {  	_ =	swait.ge [sflag:s22], s20  }
0x9f: {  	s4 =	ssub.s32 $0x0, s20;
	[sflag:s22] =	ssyncset.done $0x0  }
0xa0: {  	[sflag:s22] =	ssyncadd.s32 s4;
	_ =	sdelay $0x1  }
0xa1: {  	s23 =	simm.s32 $0x1B8B  }
0xa2: {  	_ =	swait.ge [sflag:s23], $0x1  }
0xa3: {  	[sflag:s23] =	ssyncset.done $0x0  }
0xa4: {  	s25 =	simm.s32 $0x1B8E;
	s24 =	sld [smem:$0x3FFE];
	[sflag:s23] =	ssyncadd.s32 $0xFFFFFFFF  }
0xa5: {  	s26 =	simm.s32 $execute0_lowered;
	[smem:$0x3FD2] =	sst s25  }
0xa6: {  	s5 =	sshll.u32 s26, $0x1;
	_ =	strace $0x80000046;
	[dreg:$0x1] =	wrdreg $0xFFFFFFFF  }
0xa7: {  	s28 =	simm.s32 $_size_execute0_lowered;
	s3 =	sadd.s32 s3, s5;
	[dreg:$0x0] =	wrdreg $0x0  }
0xa8: {  	s5 =	sshll.u32 s28, $0x1;
	[dreg:$0x2] =	wrdreg s3  }
0xa9: {  	[dreg:$0x3] =	wrdreg s5  }
0xaa: {  	[dreg:$0x4] =	wrdreg $0xC0  }
0xab: {  	_ =	task [dreg:s7], $0x5FFFF  }
0xac: {  	[dreg:$0x1] =	wrdreg $0xFFFFFFFF  }
0xad: {  	[dreg:$0x0] =	wrdreg $0x60  }
0xae: {  	[dreg:$0x2] =	wrdreg s24  }
0xaf: {  	[dreg:$0x3] =	wrdreg s2  }
0xb0: {  	[dreg:$0x4] =	wrdreg $0x9  }
0xb1: {  	_ =	task.clear_ibuf [dreg:s7], $0x5FFFF;
	_ =	strace $0x90000046  }
0xb2: {  	s29 =	simm.s32 $0x9;
	_ =	strace $0x80000048  }
0xb3: {  	_ =	swait.ge [sflag:s29], $0x1  }
0xb4: {  	[sflag:s29] =	ssyncadd.s32 $0xFFFFFFFF  }
0xb5: {  	_ =	strace $0x90000048  }
0xb6: {  	_ =	sfence  }
0xb7: {  	s30 =	sld [smem:$0x0];
	_ =	sdelay $0x2  }
0xb8: {  	s31 =	sshll.u32 s1, $0xD;
	s1 =	sshrl.u32 s1, $0x2  }
0xb9: {  	s3 =	sand.u32 $0x4000, s31;
	s1 =	sadd.s32 s1, s30  }
0xba: {  	s0 =	sor.u32 s3, s0;
	s1 =	sshll.u32 s1, $0x11  }
0xbb: {  	s0 =	sor.u32 s1, s0  }
0xbc: {  	s0 =	sadd.s32 $0x8F2B, s0  }
0xbd: {  	[sflag:s0] =	ssyncadd.remote.s32 $0x1  }
0xbe: {  	_ =	sfence.sel $0xFFFF  }
0xbf: {  	[dreg:$0x0] =	wrdreg $0xFFFFFFFF;
	(pc) =	sbr.abs _section_cstart, $3  }
0xc0: {  	[dreg:$0x1] =	wrdreg $0xFFFFFFFF  }
0xc1: {  	_ =	task.clear_ibuf [dreg:s7], $0x2FFFF;
	_ =	strace $0x9FFFFFFF  }
0xc2: {  	(tm) =	ssettm $0x7FFFFFFF  }
0xc3: {  	_ =	shalt  }
tec
execute0_lowered:
.L_overlay_start_1:
0x0: {  	(tag) =	ssettag $0x1  }
0x1: {  	s0 =	srdreg.scid  }
0x2: {  	s2 =	stileid.u32;
	s1 =	rddreg [dreg:$0x0];
	s17 =	simm.s32 $0x80  }
0x3: {  	s18 =	simm.s32 $0x9600;
	s19 =	simm.s32 $0x48;
	s22 =	simm.s32 $0xC800  }
0x4: {  	s29 =	simm.s32 $0x11A00;
	s30 =	simm.s32 $0x1;
	s16 =	simm.s32 $0x14C00  }
0x5: {  	s21 =	simm.s32 $0x2;
	s0 =	sand.u32 $0x1, s0;
	s3 =	sshll.u32 s2, $0x1  }
0x6: {  	s23 =	simm.s32 $0x5;
	s28 =	simm.s32 $0x6;
	s6 =	sor.u32 s0, s3  }
0x7: {  	s31 =	simm.s32 $0x4;
	s2 =	rddreg [dreg:$0x1];
	s4 =	smul.u32 $0x6400, s6  }
0x8: {  	s3 =	simm.s32 $0x0;
	s0 =	ssub.s32 $0x2, s0;
	s8 =	smul.u32 $0x32000, s6  }
0x9: {  	[smem:$0x7FF] =	sst s3;
	s9 =	sshrl.u32 s0, $0x1;
	s6 =	smul.u32 $0x190000, s6  }
0xa: {  	_ =	strace $0x80000047;
	s0 =	ssub.s32 s0, s9;
	s5 =	sshrl.u32 s4, $0x3  }
0xb: {  	s24 =	sadd.s32 s2, s8;
	s25 =	sshrl.u32 s6, $0x3;
	s10 =	sor.u32 $0x190, s4  }
0xc: {  	s11 =	sor.u32 $0x258, s4;
	s0 =	smax.u32 s0, $0x1;
	s6 =	simm.s32 $0x8  }
0xd: {  	s8 =	simm.s32 $0x0;
	s7 =	sadd.s32 s5, s1;
	[dreg:$0x4] =	wrdreg s24  }
0xe: {  	s5 =	sadd.s32 $0xF43000, s1;
	s1 =	sadd.s32 $0x19C00, s1;
	[dreg:$0x9] =	wrdreg s0  }
0xf: {  	s0 =	simm.s32 $0x7;
	[dreg:$0x3] =	wrdreg s1;
	s1 =	sadd.s32 $0x640, s24  }
0x10: {  	s7 =	sadd.s32 $0xC00, s7;
	[dreg:$0x6] =	wrdreg s1;
	s1 =	sadd.s32 s2, s25  }
0x11: {  	s24 =	simm.s32 $0xE800;
	[dreg:$0x5] =	wrdreg s7;
	s26 =	sadd.s32 $0x31380, s1  }
0x12: {  	s25 =	simm.s32 $0x3;
	s1 =	sadd.s32 $0x319C0, s1;
	[dreg:$0x7] =	wrdreg s26  }
0x13: {  	[dreg:$0x8] =	wrdreg s1;
	s26 =	simm.s32 $0xFA00;
	s1 =	simm.s32 $0x12C00  }
.LBB2_1:
0x14: {  	[dreg:$0xa] =	wrdreg s8  }
0x15: {  	s7 =	rddreg [dreg:$0x5];
	s15 =	simm.s32 $0x9  }
0x16: {  	[tilespmem:s3], [sflag:$0x9] =	stream.linear.gather [hbm4b:s7+s3], $0x6400, $0x38;
	[tilespmem:$0x15E00] =	vst v63  }
0x17: {  	_ =	swait.ge [sflag:s15], $0x6400  }
0x18: {  	[sflag:s15] =	ssyncset.done $0x0  }
0x19: {  	s9 =	simm.s32 $0x6400;
	s20 =	rddreg [dreg:$0x3];
	[sflag:s15] =	ssyncadd.s32 $0xFFFF9C00  }
0x1a: {  	[tilespmem:s9], [sflag:$0x9] =	stream.linear.gather [hbm4b:s20+s3], $0x3200, $0x38;
	[tilespmem:$0x15E00] =	vst v63  }
0x1b: {  	_ =	swait.ge [sflag:s15], $0x3200  }
0x1c: {  	[sflag:s15] =	ssyncset.done $0x0  }
0x1d: {  	[sflag:s15] =	ssyncadd.s32 $0xFFFFCE00  }
0x1e: {  	[tilespmem:s18], [sflag:$0x1] =	stream.indirect.gather [hbm4b:s5+s17], $0x40, s3, s17, $0xb8;
	[tilespmem:$0x15E00] =	vst v63  }
0x1f: {  	s12 =	simm.s32 $0xB600  }
0x20: {  	[tilespmem:s12], [sflag:$0x1] =	stream.indirect.gather [hbm4b:s5+s19], $0x40, s17, s19, $0xb8;
	[tilespmem:$0x15E00] =	vst v63  }
0x21: {  	s13 =	simm.s32 $0xC8  }
0x22: {  	[tilespmem:s22], [sflag:$0x2] =	stream.indirect.gather [hbm4b:s5+s17], $0x40, s13, s17, $0xb8;
	[tilespmem:$0x15E00] =	vst v63  }
0x23: {  	s14 =	simm.s32 $0x148  }
0x24: {  	[tilespmem:s24], [sflag:$0x2] =	stream.indirect.gather [hbm4b:s5+s19], $0x40, s14, s19, $0xb8;
	[tilespmem:$0x15E00] =	vst v63  }
0x25: {  	s15 =	simm.s32 $0x190  }
0x26: {  	[tilespmem:s26], [sflag:$0x3] =	stream.indirect.gather [hbm4b:s5+s17], $0x40, s15, s17, $0xb8;
	[tilespmem:$0x15E00] =	vst v63  }
0x27: {  	s20 =	simm.s32 $0x210  }
0x28: {  	[tilespmem:s29], [sflag:$0x3] =	stream.indirect.gather [hbm4b:s5+s19], $0x40, s20, s19, $0xb8;
	[tilespmem:$0x15E00] =	vst v63  }
0x29: {  	_ =	swait.ge [sflag:s30], $0x2000  }
0x2a: {  	[sflag:s30] =	ssyncset.done $0x0  }
0x2b: {  	[sflag:s30] =	ssyncadd.s32 $0xFFFFE000  }
0x2c: {  	_ =	swait.ge [sflag:s30], $0x1200  }
0x2d: {  	[sflag:s30] =	ssyncset.done $0x0  }
0x2e: {  	s7 =	simm.s32 $0x9680;
	[sflag:s30] =	ssyncadd.s32 $0xFFFFEE00  }
0x2f: {  	v0 =	vld [tilespmem:s7+$0x40]  }
0x30: {  	s9 =	simm.s32 $0x6480;
	v1 =	vld [tilespmem:s7+$0x50]  }
0x31: {  	v2 =	vld [tilespmem:s9+$0x40]  }
0x32: {  	v3 =	vld [tilespmem:s9+$0x50]  }
0x33: {  	v4 =	vld [tilespmem:s7+$0xFFFFFF90]  }
0x34: {  	v5 =	vld [tilespmem:s9+$0xFFFFFF80]  }
0x35: {  	v6 =	vld [tilespmem:s9+$0xFFFFFF90]  }
0x36: {  	v7 =	vld [tilespmem:s7+$0x70]  }
0x37: {  	v9 =	vld [tilespmem:s7+$0x0]  }
0x38: {  	v10 =	vld [tilespmem:s9+$0x0]  }
0x39: {  	v0 =	vadd.f32 v2, v0;
	v2 =	vld [tilespmem:s7+$0xFFFFFFC0]  }
0x3a: {  	v1 =	vadd.f32 v3, v1;
	v3 =	vld [tilespmem:s7+$0xFFFFFFD0]  }
0x3b: {  	v4 =	vadd.f32 v6, v4;
	[tilespmem:s7+$0x40] =	vst v0;
	v0 =	vld [tilespmem:s9+$0xFFFFFFC0]  }
0x3c: {  	[tilespmem:s7+$0x50] =	vst v1;
	v1 =	vld [tilespmem:s9+$0xFFFFFFD0]  }
0x3d: {  	[tilespmem:s7+$0xFFFFFF90] =	vst v4;
	v4 =	vld [tilespmem:s7+$0xFFFFFF80]  }
0x3e: {  	v11 =	vld [tilespmem:s7+$0xFFFFFFA0]  }
0x3f: {  	v8 =	vld [tilespmem:s9+$0x70]  }
0x40: {  	v6 =	vld [tilespmem:s7+$0x10];
	v0 =	vadd.f32 v0, v2  }
0x41: {  	v2 =	vld [tilespmem:s9+$0x10];
	v1 =	vadd.f32 v1, v3  }
0x42: {  	v4 =	vadd.f32 v5, v4;
	v5 =	vld [tilespmem:s7+$0xFFFFFFE0];
	[tilespmem:s7+$0xFFFFFFC0] =	vst v0  }
0x43: {  	v0 =	vld [tilespmem:s9+$0x60];
	[tilespmem:s7+$0xFFFFFFD0] =	vst v1  }
0x44: {  	[tilespmem:s7+$0xFFFFFF80] =	vst v4;
	v4 =	vadd.f32 v8, v7;
	v7 =	vld [tilespmem:s7+$0xFFFFFFF0]  }
0x45: {  	v12 =	vld [tilespmem:s9+$0xFFFFFFE0]  }
0x46: {  	v3 =	vadd.f32 v10, v9;
	v1 =	vld [tilespmem:s9+$0xFFFFFFF0]  }
0x47: {  	v9 =	vld [tilespmem:s9+$0xFFFFFFA0]  }
0x48: {  	[tilespmem:s7+$0x0] =	vst v3;
	v10 =	vld [tilespmem:s9+$0xFFFFFFB0];
	v2 =	vadd.f32 v2, v6  }
0x49: {  	[tilespmem:s7+$0x70] =	vst v4;
	v6 =	vld [tilespmem:s7+$0xFFFFFFB0]  }
0x4a: {  	v4 =	vld [tilespmem:s7+$0x30];
	[tilespmem:s7+$0x10] =	vst v2  }
0x4b: {  	v2 =	vld [tilespmem:s9+$0x20]  }
0x4c: {  	v12 =	vadd.f32 v12, v5;
	v5 =	vld [tilespmem:s7+$0x20]  }
0x4d: {  	v3 =	vld [tilespmem:s9+$0x30];
	v8 =	vadd.f32 v9, v11  }
0x4e: {  	s8 =	simm.s32 $0x9780;
	s12 =	simm.s32 $0x0;
	[tilespmem:s7+$0xFFFFFFE0] =	vst v12;
	v9 =	vadd.f32 v10, v6;
	v6 =	vld [tilespmem:s7+$0x60]  }
.LBB2_2:
0x4f: {  	v10 =	vld [tilespmem:s8+$0x40];
	[tilespmem:s7+$0xFFFFFFA0] =	vst v8  }
0x50: {  	s9 =	sadd.s32 $0x100, s9;
	v8 =	vld [tilespmem:s8+$0x50];
	[tilespmem:s7+$0xFFFFFFB0] =	vst v9;
	v1 =	vadd.f32 v1, v7  }
0x51: {  	v7 =	vld [tilespmem:s9+$0x40];
	v2 =	vadd.f32 v2, v5  }
0x52: {  	s12 =	sadd.s32 $0x4, s12;
	v5 =	vld [tilespmem:s9+$0x50];
	[tilespmem:s7+$0xFFFFFFF0] =	vst v1;
	v1 =	vadd.f32 v3, v4  }
0x53: {  	p0 =	slt.u32 s12, $0xC4;
	v3 =	vld [tilespmem:s8+$0xFFFFFF90];
	[tilespmem:s7+$0x20] =	vst v2;
	v0 =	vadd.f32 v0, v6  }
0x54: {  	v2 =	vld [tilespmem:s9+$0xFFFFFF80];
	[tilespmem:s7+$0x30] =	vst v1  }
0x55: {  	v1 =	vld [tilespmem:s9+$0xFFFFFF90];
	[tilespmem:s7+$0x60] =	vst v0;
	s7 =	smov.u32 s8  }
0x56: {  	v0 =	vld [tilespmem:s8+$0xFFFFFFC0];
	v4 =	vadd.f32 v7, v10  }
0x57: {  	v6 =	vld [tilespmem:s8+$0xFFFFFFD0];
	v5 =	vadd.f32 v5, v8  }
0x58: {  	v7 =	vld [tilespmem:s9+$0xFFFFFFC0];
	[tilespmem:s8+$0x40] =	vst v4  }
0x59: {  	[tilespmem:s8+$0x50] =	vst v5;
	v4 =	vld [tilespmem:s8+$0x70]  }
0x5a: {  	v1 =	vadd.f32 v1, v3;
	v3 =	vld [tilespmem:s9+$0x70]  }
0x5b: {  	v5 =	vld [tilespmem:s9+$0xFFFFFFD0]  }
0x5c: {  	[tilespmem:s8+$0xFFFFFF90] =	vst v1;
	v1 =	vld [tilespmem:s8+$0x0]  }
0x5d: {  	v0 =	vadd.f32 v7, v0;
	v7 =	vld [tilespmem:s8+$0x10]  }
0x5e: {  	v8 =	vld [tilespmem:s9+$0x0]  }
0x5f: {  	[tilespmem:s8+$0xFFFFFFC0] =	vst v0;
	v9 =	vld [tilespmem:s9+$0x10];
	v3 =	vadd.f32 v3, v4  }
0x60: {  	v4 =	vld [tilespmem:s8+$0xFFFFFF80];
	v5 =	vadd.f32 v5, v6  }
0x61: {  	v0 =	vld [tilespmem:s9+$0x60];
	[tilespmem:s8+$0x70] =	vst v3  }
0x62: {  	v6 =	vld [tilespmem:s8+$0xFFFFFFA0];
	[tilespmem:s8+$0xFFFFFFD0] =	vst v5  }
0x63: {  	v5 =	vld [tilespmem:s9+$0xFFFFFFE0];
	v3 =	vadd.f32 v8, v1  }
0x64: {  	v1 =	vld [tilespmem:s9+$0xFFFFFFF0];
	v7 =	vadd.f32 v9, v7  }
0x65: {  	v2 =	vadd.f32 v2, v4;
	v9 =	vld [tilespmem:s8+$0xFFFFFFB0];
	[tilespmem:s8+$0x0] =	vst v3  }
0x66: {  	v4 =	vld [tilespmem:s8+$0xFFFFFFE0];
	[tilespmem:s8+$0x10] =	vst v7  }
0x67: {  	[tilespmem:s8+$0xFFFFFF80] =	vst v2;
	v2 =	vld [tilespmem:s9+$0x20]  }
0x68: {  	v8 =	vld [tilespmem:s9+$0xFFFFFFA0]  }
0x69: {  	v10 =	vld [tilespmem:s9+$0xFFFFFFB0]  }
.Ltmp0:
0x6a: {  	v3 =	vld [tilespmem:s9+$0x30];
	(pc) =	sbr.rel @p0 .LBB2_2-.Ltmp0, $4  }
0x6b: {  	v7 =	vld [tilespmem:s8+$0xFFFFFFF0];
	v4 =	vadd.f32 v5, v4  }
0x6c: {  	v5 =	vld [tilespmem:s8+$0x20]  }
0x6d: {  	v8 =	vadd.f32 v8, v6;
	[tilespmem:s8+$0xFFFFFFE0] =	vst v4;
	v4 =	vld [tilespmem:s8+$0x30]  }
0x6e: {  	s8 =	sadd.s32 $0x100, s8;
	v9 =	vadd.f32 v10, v9;
	v6 =	vld [tilespmem:s7+$0x60]  }
0x6f: {  	_ = 	snop  }
0x70: {  	[tilespmem:s7+$0xFFFFFFA0] =	vst v8;
	v1 =	vadd.f32 v1, v7  }
0x71: {  	[tilespmem:s7+$0xFFFFFFB0] =	vst v9;
	v2 =	vadd.f32 v2, v5  }
0x72: {  	[tilespmem:s7+$0xFFFFFFF0] =	vst v1;
	v1 =	vadd.f32 v3, v4  }
0x73: {  	[tilespmem:s7+$0x20] =	vst v2;
	v0 =	vadd.f32 v0, v6  }
0x74: {  	[tilespmem:s7+$0x30] =	vst v1  }
0x75: {  	[tilespmem:s7+$0x60] =	vst v0  }
0x76: {  	s7 =	rddreg [dreg:$0x4]  }
0x77: {  	[hbm4b:s7+s3] =	stream.linear.scatter [tilespmem:s18], [sflag:$0x5], $0x3200, $0x38;
	[tilespmem:$0x15E00] =	vst v63  }
0x78: {  	s15 =	simm.s32 $0x258  }
0x79: {  	[tilespmem:s1], [sflag:$0x4] =	stream.indirect.gather [hbm4b:s5+s17], $0x40, s15, s17, $0xb8;
	[tilespmem:$0x15E00] =	vst v63  }
0x7a: {  	s20 =	simm.s32 $0x2D8  }
0x7b: {  	[tilespmem:s16], [sflag:$0x4] =	stream.indirect.gather [hbm4b:s5+s19], $0x40, s20, s19, $0xb8;
	[tilespmem:$0x15E00] =	vst v63  }
0x7c: {  	_ =	swait.ge [sflag:s21], $0x2000  }
0x7d: {  	[sflag:s21] =	ssyncset.done $0x0  }
0x7e: {  	[sflag:s21] =	ssyncadd.s32 $0xFFFFE000  }
0x7f: {  	_ =	swait.ge [sflag:s21], $0x1200  }
0x80: {  	[sflag:s21] =	ssyncset.done $0x0  }
0x81: {  	s7 =	simm.s32 $0xC880;
	[sflag:s21] =	ssyncadd.s32 $0xFFFFEE00  }
0x82: {  	v0 =	vld [tilespmem:s7+$0x40]  }
0x83: {  	s9 =	simm.s32 $0x6480;
	v1 =	vld [tilespmem:s7+$0x50]  }
0x84: {  	v2 =	vld [tilespmem:s9+$0x40]  }
0x85: {  	v3 =	vld [tilespmem:s9+$0x50]  }
0x86: {  	v4 =	vld [tilespmem:s7+$0xFFFFFF90]  }
0x87: {  	v5 =	vld [tilespmem:s9+$0xFFFFFF80]  }
0x88: {  	v6 =	vld [tilespmem:s9+$0xFFFFFF90]  }
0x89: {  	v7 =	vld [tilespmem:s7+$0x70]  }
0x8a: {  	v9 =	vld [tilespmem:s7+$0x0]  }
0x8b: {  	v10 =	vld [tilespmem:s9+$0x0]  }
0x8c: {  	v0 =	vadd.f32 v2, v0;
	v2 =	vld [tilespmem:s7+$0xFFFFFFC0]  }
0x8d: {  	v1 =	vadd.f32 v3, v1;
	v3 =	vld [tilespmem:s7+$0xFFFFFFD0]  }
0x8e: {  	v4 =	vadd.f32 v6, v4;
	[tilespmem:s7+$0x40] =	vst v0;
	v0 =	vld [tilespmem:s9+$0xFFFFFFC0]  }
0x8f: {  	[tilespmem:s7+$0x50] =	vst v1;
	v1 =	vld [tilespmem:s9+$0xFFFFFFD0]  }
0x90: {  	[tilespmem:s7+$0xFFFFFF90] =	vst v4;
	v4 =	vld [tilespmem:s7+$0xFFFFFF80]  }
0x91: {  	v11 =	vld [tilespmem:s7+$0xFFFFFFA0]  }
0x92: {  	v8 =	vld [tilespmem:s9+$0x70]  }
0x93: {  	v6 =	vld [tilespmem:s7+$0x10];
	v0 =	vadd.f32 v0, v2  }
0x94: {  	v2 =	vld [tilespmem:s9+$0x10];
	v1 =	vadd.f32 v1, v3  }
0x95: {  	v4 =	vadd.f32 v5, v4;
	v5 =	vld [tilespmem:s7+$0xFFFFFFE0];
	[tilespmem:s7+$0xFFFFFFC0] =	vst v0  }
0x96: {  	v0 =	vld [tilespmem:s9+$0x60];
	[tilespmem:s7+$0xFFFFFFD0] =	vst v1  }
0x97: {  	[tilespmem:s7+$0xFFFFFF80] =	vst v4;
	v4 =	vadd.f32 v8, v7;
	v7 =	vld [tilespmem:s7+$0xFFFFFFF0]  }
0x98: {  	v12 =	vld [tilespmem:s9+$0xFFFFFFE0]  }
0x99: {  	v3 =	vadd.f32 v10, v9;
	v1 =	vld [tilespmem:s9+$0xFFFFFFF0]  }
0x9a: {  	v9 =	vld [tilespmem:s9+$0xFFFFFFA0]  }
0x9b: {  	[tilespmem:s7+$0x0] =	vst v3;
	v10 =	vld [tilespmem:s9+$0xFFFFFFB0];
	v2 =	vadd.f32 v2, v6  }
0x9c: {  	[tilespmem:s7+$0x70] =	vst v4;
	v6 =	vld [tilespmem:s7+$0xFFFFFFB0]  }
0x9d: {  	v4 =	vld [tilespmem:s7+$0x30];
	[tilespmem:s7+$0x10] =	vst v2  }
0x9e: {  	v2 =	vld [tilespmem:s9+$0x20]  }
0x9f: {  	v12 =	vadd.f32 v12, v5;
	v5 =	vld [tilespmem:s7+$0x20]  }
0xa0: {  	v3 =	vld [tilespmem:s9+$0x30];
	v8 =	vadd.f32 v9, v11  }
0xa1: {  	s12 =	simm.s32 $0x0;
	s8 =	simm.s32 $0xC980;
	[tilespmem:s7+$0xFFFFFFE0] =	vst v12;
	v9 =	vadd.f32 v10, v6;
	v6 =	vld [tilespmem:s7+$0x60]  }
.LBB2_4:
0xa2: {  	v10 =	vld [tilespmem:s8+$0x40];
	[tilespmem:s7+$0xFFFFFFA0] =	vst v8  }
0xa3: {  	s9 =	sadd.s32 $0x100, s9;
	v8 =	vld [tilespmem:s8+$0x50];
	[tilespmem:s7+$0xFFFFFFB0] =	vst v9;
	v1 =	vadd.f32 v1, v7  }
0xa4: {  	v7 =	vld [tilespmem:s9+$0x40];
	v2 =	vadd.f32 v2, v5  }
0xa5: {  	s12 =	sadd.s32 $0x4, s12;
	v5 =	vld [tilespmem:s9+$0x50];
	[tilespmem:s7+$0xFFFFFFF0] =	vst v1;
	v1 =	vadd.f32 v3, v4  }
0xa6: {  	p0 =	slt.u32 s12, $0xC4;
	v3 =	vld [tilespmem:s8+$0xFFFFFF90];
	[tilespmem:s7+$0x20] =	vst v2;
	v0 =	vadd.f32 v0, v6  }
0xa7: {  	v2 =	vld [tilespmem:s9+$0xFFFFFF80];
	[tilespmem:s7+$0x30] =	vst v1  }
0xa8: {  	v1 =	vld [tilespmem:s9+$0xFFFFFF90];
	[tilespmem:s7+$0x60] =	vst v0;
	s7 =	smov.u32 s8  }
0xa9: {  	v0 =	vld [tilespmem:s8+$0xFFFFFFC0];
	v4 =	vadd.f32 v7, v10  }
0xaa: {  	v6 =	vld [tilespmem:s8+$0xFFFFFFD0];
	v5 =	vadd.f32 v5, v8  }
0xab: {  	v7 =	vld [tilespmem:s9+$0xFFFFFFC0];
	[tilespmem:s8+$0x40] =	vst v4  }
0xac: {  	[tilespmem:s8+$0x50] =	vst v5;
	v4 =	vld [tilespmem:s8+$0x70]  }
0xad: {  	v1 =	vadd.f32 v1, v3;
	v3 =	vld [tilespmem:s9+$0x70]  }
0xae: {  	v5 =	vld [tilespmem:s9+$0xFFFFFFD0]  }
0xaf: {  	[tilespmem:s8+$0xFFFFFF90] =	vst v1;
	v1 =	vld [tilespmem:s8+$0x0]  }
0xb0: {  	v0 =	vadd.f32 v7, v0;
	v7 =	vld [tilespmem:s8+$0x10]  }
0xb1: {  	v8 =	vld [tilespmem:s9+$0x0]  }
0xb2: {  	[tilespmem:s8+$0xFFFFFFC0] =	vst v0;
	v9 =	vld [tilespmem:s9+$0x10];
	v3 =	vadd.f32 v3, v4  }
0xb3: {  	v4 =	vld [tilespmem:s8+$0xFFFFFF80];
	v5 =	vadd.f32 v5, v6  }
0xb4: {  	v0 =	vld [tilespmem:s9+$0x60];
	[tilespmem:s8+$0x70] =	vst v3  }
0xb5: {  	v6 =	vld [tilespmem:s8+$0xFFFFFFA0];
	[tilespmem:s8+$0xFFFFFFD0] =	vst v5  }
0xb6: {  	v5 =	vld [tilespmem:s9+$0xFFFFFFE0];
	v3 =	vadd.f32 v8, v1  }
0xb7: {  	v1 =	vld [tilespmem:s9+$0xFFFFFFF0];
	v7 =	vadd.f32 v9, v7  }
0xb8: {  	v2 =	vadd.f32 v2, v4;
	v9 =	vld [tilespmem:s8+$0xFFFFFFB0];
	[tilespmem:s8+$0x0] =	vst v3  }
0xb9: {  	v4 =	vld [tilespmem:s8+$0xFFFFFFE0];
	[tilespmem:s8+$0x10] =	vst v7  }
0xba: {  	[tilespmem:s8+$0xFFFFFF80] =	vst v2;
	v2 =	vld [tilespmem:s9+$0x20]  }
0xbb: {  	v8 =	vld [tilespmem:s9+$0xFFFFFFA0]  }
0xbc: {  	v10 =	vld [tilespmem:s9+$0xFFFFFFB0]  }
.Ltmp1:
0xbd: {  	v3 =	vld [tilespmem:s9+$0x30];
	(pc) =	sbr.rel @p0 .LBB2_4-.Ltmp1, $4  }
0xbe: {  	v7 =	vld [tilespmem:s8+$0xFFFFFFF0];
	v4 =	vadd.f32 v5, v4  }
0xbf: {  	v5 =	vld [tilespmem:s8+$0x20]  }
0xc0: {  	v8 =	vadd.f32 v8, v6;
	[tilespmem:s8+$0xFFFFFFE0] =	vst v4;
	v4 =	vld [tilespmem:s8+$0x30]  }
0xc1: {  	s8 =	sadd.s32 $0x100, s8;
	v9 =	vadd.f32 v10, v9;
	v6 =	vld [tilespmem:s7+$0x60]  }
0xc2: {  	_ = 	snop  }
0xc3: {  	[tilespmem:s7+$0xFFFFFFA0] =	vst v8;
	v1 =	vadd.f32 v1, v7  }
0xc4: {  	[tilespmem:s7+$0xFFFFFFB0] =	vst v9;
	v2 =	vadd.f32 v2, v5  }
0xc5: {  	[tilespmem:s7+$0xFFFFFFF0] =	vst v1;
	v63 =	vadd.f32 v3, v4  }
0xc6: {  	[tilespmem:s7+$0x20] =	vst v2;
	v0 =	vadd.f32 v0, v6  }
0xc7: {  	[tilespmem:s7+$0x30] =	vst v63  }
0xc8: {  	[tilespmem:s7+$0x60] =	vst v0  }
0xc9: {  	s9 =	simm.s32 $0x0;
	s7 =	rddreg [dreg:$0x6]  }
0xca: {  	[hbm4b:s7+s9] =	stream.linear.scatter [tilespmem:s22], [sflag:$0x6], $0x3200, $0x38;
	[tilespmem:$0x15E00] =	vst v63  }
.LBB2_6:
0xcb: {  	_ =	swait.ge [sflag:s23], $0x3200;
	s12 =	smul.u32 $0x320, s9  }
0xcc: {  	[sflag:s23] =	ssyncset.done $0x0  }
0xcd: {  	[sflag:s23] =	ssyncadd.s32 $0xFFFFCE00;
	s13 =	sadd.s32 $0x320, s12  }
0xce: {  	[tilespmem:s18], [sflag:$0x1] =	stream.indirect.gather [hbm4b:s5+s17], $0x40, s13, s17, $0xb8;
	[tilespmem:$0x15E00] =	vst v63  }
0xcf: {  	s8 =	simm.s32 $0xB600;
	s7 =	sadd.s32 $0x3A0, s12  }
0xd0: {  	[tilespmem:s8], [sflag:$0x1] =	stream.indirect.gather [hbm4b:s5+s19], $0x40, s7, s19, $0xb8;
	[tilespmem:$0x15E00] =	vst v63  }
0xd1: {  	_ =	swait.ge [sflag:s25], $0x2000  }
0xd2: {  	[sflag:s25] =	ssyncset.done $0x0  }
0xd3: {  	[sflag:s25] =	ssyncadd.s32 $0xFFFFE000  }
0xd4: {  	_ =	swait.ge [sflag:s25], $0x1200  }
0xd5: {  	[sflag:s25] =	ssyncset.done $0x0  }
0xd6: {  	s14 =	simm.s32 $0xFA80;
	[sflag:s25] =	ssyncadd.s32 $0xFFFFEE00  }
0xd7: {  	v0 =	vld [tilespmem:s14+$0x40]  }
0xd8: {  	s7 =	simm.s32 $0x6480;
	v1 =	vld [tilespmem:s14+$0x50]  }
0xd9: {  	v2 =	vld [tilespmem:s7+$0x40]  }
0xda: {  	v3 =	vld [tilespmem:s7+$0x50]  }
0xdb: {  	v4 =	vld [tilespmem:s14+$0xFFFFFF90]  }
0xdc: {  	v5 =	vld [tilespmem:s7+$0xFFFFFF80]  }
0xdd: {  	v6 =	vld [tilespmem:s7+$0xFFFFFF90]  }
0xde: {  	v7 =	vld [tilespmem:s14+$0x70]  }
0xdf: {  	v9 =	vld [tilespmem:s14+$0x0]  }
0xe0: {  	v10 =	vld [tilespmem:s7+$0x0]  }
0xe1: {  	v0 =	vadd.f32 v2, v0;
	v2 =	vld [tilespmem:s14+$0xFFFFFFC0]  }
0xe2: {  	v1 =	vadd.f32 v3, v1;
	v3 =	vld [tilespmem:s14+$0xFFFFFFD0]  }
0xe3: {  	v4 =	vadd.f32 v6, v4;
	[tilespmem:s14+$0x40] =	vst v0;
	v0 =	vld [tilespmem:s7+$0xFFFFFFC0]  }
0xe4: {  	[tilespmem:s14+$0x50] =	vst v1;
	v1 =	vld [tilespmem:s7+$0xFFFFFFD0]  }
0xe5: {  	[tilespmem:s14+$0xFFFFFF90] =	vst v4;
	v4 =	vld [tilespmem:s14+$0xFFFFFF80]  }
0xe6: {  	v11 =	vld [tilespmem:s14+$0xFFFFFFA0]  }
0xe7: {  	v8 =	vld [tilespmem:s7+$0x70]  }
0xe8: {  	v6 =	vld [tilespmem:s14+$0x10];
	v0 =	vadd.f32 v0, v2  }
0xe9: {  	v2 =	vld [tilespmem:s7+$0x10];
	v1 =	vadd.f32 v1, v3  }
0xea: {  	v4 =	vadd.f32 v5, v4;
	v5 =	vld [tilespmem:s14+$0xFFFFFFB0];
	[tilespmem:s14+$0xFFFFFFC0] =	vst v0  }
0xeb: {  	v0 =	vld [tilespmem:s7+$0x60];
	[tilespmem:s14+$0xFFFFFFD0] =	vst v1  }
0xec: {  	[tilespmem:s14+$0xFFFFFF80] =	vst v4;
	v4 =	vadd.f32 v8, v7;
	v7 =	vld [tilespmem:s14+$0xFFFFFFF0]  }
0xed: {  	v12 =	vld [tilespmem:s7+$0xFFFFFFE0]  }
0xee: {  	v3 =	vadd.f32 v10, v9;
	v1 =	vld [tilespmem:s7+$0xFFFFFFF0]  }
0xef: {  	v2 =	vadd.f32 v2, v6;
	v6 =	vld [tilespmem:s14+$0xFFFFFFE0]  }
0xf0: {  	[tilespmem:s14+$0x0] =	vst v3;
	v9 =	vld [tilespmem:s7+$0xFFFFFFA0]  }
0xf1: {  	v10 =	vld [tilespmem:s7+$0xFFFFFFB0];
	[tilespmem:s14+$0x70] =	vst v4  }
0xf2: {  	v4 =	vld [tilespmem:s14+$0x30];
	[tilespmem:s14+$0x10] =	vst v2  }
0xf3: {  	v2 =	vld [tilespmem:s7+$0x20]  }
0xf4: {  	v12 =	vadd.f32 v12, v6;
	v6 =	vld [tilespmem:s14+$0x20]  }
0xf5: {  	v3 =	vld [tilespmem:s7+$0x30];
	v8 =	vadd.f32 v9, v11  }
0xf6: {  	s15 =	simm.s32 $0x0;
	s8 =	simm.s32 $0xFB80;
	v9 =	vadd.f32 v10, v5;
	v5 =	vld [tilespmem:s14+$0x60];
	[tilespmem:s14+$0xFFFFFFE0] =	vst v12  }
.LBB2_7:
0xf7: {  	v10 =	vld [tilespmem:s8+$0x40];
	[tilespmem:s14+$0xFFFFFFA0] =	vst v8  }
0xf8: {  	s7 =	sadd.s32 $0x100, s7;
	v8 =	vld [tilespmem:s8+$0x50];
	[tilespmem:s14+$0xFFFFFFB0] =	vst v9;
	v1 =	vadd.f32 v1, v7  }
0xf9: {  	v7 =	vld [tilespmem:s7+$0x40];
	v2 =	vadd.f32 v2, v6  }
0xfa: {  	s15 =	sadd.s32 $0x4, s15;
	v6 =	vld [tilespmem:s7+$0x50];
	[tilespmem:s14+$0xFFFFFFF0] =	vst v1;
	v1 =	vadd.f32 v3, v4  }
0xfb: {  	p0 =	slt.u32 s15, $0xC4;
	v3 =	vld [tilespmem:s8+$0xFFFFFF90];
	[tilespmem:s14+$0x20] =	vst v2;
	v0 =	vadd.f32 v0, v5  }
0xfc: {  	v2 =	vld [tilespmem:s7+$0xFFFFFF80];
	[tilespmem:s14+$0x30] =	vst v1  }
0xfd: {  	v1 =	vld [tilespmem:s7+$0xFFFFFF90];
	[tilespmem:s14+$0x60] =	vst v0;
	s14 =	smov.u32 s8  }
0xfe: {  	v0 =	vld [tilespmem:s8+$0xFFFFFFC0];
	v4 =	vadd.f32 v7, v10  }
0xff: {  	v5 =	vld [tilespmem:s8+$0xFFFFFFD0];
	v6 =	vadd.f32 v6, v8  }
0x100: {  	v7 =	vld [tilespmem:s7+$0xFFFFFFC0];
	[tilespmem:s8+$0x40] =	vst v4  }
0x101: {  	[tilespmem:s8+$0x50] =	vst v6;
	v4 =	vld [tilespmem:s8+$0x70]  }
0x102: {  	v1 =	vadd.f32 v1, v3;
	v3 =	vld [tilespmem:s7+$0x70]  }
0x103: {  	v6 =	vld [tilespmem:s7+$0xFFFFFFD0]  }
0x104: {  	[tilespmem:s8+$0xFFFFFF90] =	vst v1;
	v1 =	vld [tilespmem:s8+$0x0]  }
0x105: {  	v0 =	vadd.f32 v7, v0;
	v7 =	vld [tilespmem:s8+$0x10]  }
0x106: {  	v8 =	vld [tilespmem:s7+$0x0]  }
0x107: {  	[tilespmem:s8+$0xFFFFFFC0] =	vst v0;
	v9 =	vld [tilespmem:s7+$0x10];
	v3 =	vadd.f32 v3, v4  }
0x108: {  	v4 =	vld [tilespmem:s8+$0xFFFFFF80];
	v5 =	vadd.f32 v6, v5  }
0x109: {  	v0 =	vld [tilespmem:s7+$0x60];
	[tilespmem:s8+$0x70] =	vst v3  }
0x10a: {  	v10 =	vld [tilespmem:s8+$0xFFFFFFA0];
	[tilespmem:s8+$0xFFFFFFD0] =	vst v5  }
0x10b: {  	v5 =	vld [tilespmem:s7+$0xFFFFFFE0];
	v3 =	vadd.f32 v8, v1  }
0x10c: {  	v1 =	vld [tilespmem:s7+$0xFFFFFFF0];
	v6 =	vadd.f32 v9, v7  }
0x10d: {  	v2 =	vadd.f32 v2, v4;
	v9 =	vld [tilespmem:s8+$0xFFFFFFB0];
	[tilespmem:s8+$0x0] =	vst v3  }
0x10e: {  	v4 =	vld [tilespmem:s8+$0xFFFFFFE0];
	[tilespmem:s8+$0x10] =	vst v6  }
0x10f: {  	[tilespmem:s8+$0xFFFFFF80] =	vst v2;
	v2 =	vld [tilespmem:s7+$0x20]  }
0x110: {  	v8 =	vld [tilespmem:s7+$0xFFFFFFA0]  }
0x111: {  	v11 =	vld [tilespmem:s7+$0xFFFFFFB0]  }
.Ltmp2:
0x112: {  	v3 =	vld [tilespmem:s7+$0x30];
	(pc) =	sbr.rel @p0 .LBB2_7-.Ltmp2, $4  }
0x113: {  	v7 =	vld [tilespmem:s8+$0xFFFFFFF0];
	v4 =	vadd.f32 v5, v4  }
0x114: {  	v6 =	vld [tilespmem:s8+$0x20]  }
0x115: {  	v8 =	vadd.f32 v8, v10;
	[tilespmem:s8+$0xFFFFFFE0] =	vst v4;
	v4 =	vld [tilespmem:s8+$0x30]  }
0x116: {  	s8 =	sadd.s32 $0x100, s8;
	v9 =	vadd.f32 v11, v9;
	v5 =	vld [tilespmem:s14+$0x60]  }
0x117: {  	_ = 	snop  }
0x118: {  	[tilespmem:s14+$0xFFFFFFA0] =	vst v8;
	v1 =	vadd.f32 v1, v7  }
0x119: {  	[tilespmem:s14+$0xFFFFFFB0] =	vst v9;
	v2 =	vadd.f32 v2, v6  }
0x11a: {  	s7 =	sadd.s32 s12, s10;
	[tilespmem:s14+$0xFFFFFFF0] =	vst v1;
	v1 =	vadd.f32 v3, v4  }
0x11b: {  	s7 =	sshll.u32 s7, $0x3;
	[tilespmem:s14+$0x20] =	vst v2;
	v0 =	vadd.f32 v0, v5  }
0x11c: {  	s7 =	sand.u32 $0x1FFFFF80, s7;
	[tilespmem:s14+$0x30] =	vst v1  }
0x11d: {  	s7 =	sadd.s32 s2, s7;
	[tilespmem:s14+$0x60] =	vst v0  }
0x11e: {  	[hbm4b:s7+s3] =	stream.linear.scatter [tilespmem:s26], [sflag:$0x7], $0x3200, $0x38;
	[tilespmem:$0x15E00] =	vst v63  }
0x11f: {  	_ =	swait.ge [sflag:s28], $0x3200  }
0x120: {  	[sflag:s28] =	ssyncset.done $0x0  }
0x121: {  	s14 =	sadd.s32 $0x3E8, s12;
	[sflag:s28] =	ssyncadd.s32 $0xFFFFCE00  }
0x122: {  	[tilespmem:s22], [sflag:$0x2] =	stream.indirect.gather [hbm4b:s5+s17], $0x40, s14, s17, $0xb8;
	[tilespmem:$0x15E00] =	vst v63  }
0x123: {  	s20 =	sadd.s32 $0x468, s12  }
0x124: {  	[tilespmem:s24], [sflag:$0x2] =	stream.indirect.gather [hbm4b:s5+s19], $0x40, s20, s19, $0xb8;
	[tilespmem:$0x15E00] =	vst v63  }
0x125: {  	_ =	swait.ge [sflag:s31], $0x2000  }
0x126: {  	[sflag:s31] =	ssyncset.done $0x0  }
0x127: {  	[sflag:s31] =	ssyncadd.s32 $0xFFFFE000  }
0x128: {  	_ =	swait.ge [sflag:s31], $0x1200  }
0x129: {  	[sflag:s31] =	ssyncset.done $0x0  }
0x12a: {  	s7 =	simm.s32 $0x12C80;
	[sflag:s31] =	ssyncadd.s32 $0xFFFFEE00  }
0x12b: {  	v0 =	vld [tilespmem:s7+$0x40]  }
0x12c: {  	s15 =	simm.s32 $0x6480;
	v1 =	vld [tilespmem:s7+$0x50]  }
0x12d: {  	v2 =	vld [tilespmem:s15+$0x40]  }
0x12e: {  	v3 =	vld [tilespmem:s15+$0x50]  }
0x12f: {  	v4 =	vld [tilespmem:s7+$0xFFFFFF90]  }
0x130: {  	v5 =	vld [tilespmem:s15+$0xFFFFFF80]  }
0x131: {  	v6 =	vld [tilespmem:s15+$0xFFFFFF90]  }
0x132: {  	v7 =	vld [tilespmem:s7+$0x70]  }
0x133: {  	v9 =	vld [tilespmem:s7+$0x0]  }
0x134: {  	v10 =	vld [tilespmem:s15+$0x0]  }
0x135: {  	v0 =	vadd.f32 v2, v0;
	v2 =	vld [tilespmem:s7+$0xFFFFFFC0]  }
0x136: {  	v1 =	vadd.f32 v3, v1;
	v3 =	vld [tilespmem:s7+$0xFFFFFFD0]  }
0x137: {  	v4 =	vadd.f32 v6, v4;
	[tilespmem:s7+$0x40] =	vst v0;
	v0 =	vld [tilespmem:s15+$0xFFFFFFC0]  }
0x138: {  	[tilespmem:s7+$0x50] =	vst v1;
	v1 =	vld [tilespmem:s15+$0xFFFFFFD0]  }
0x139: {  	[tilespmem:s7+$0xFFFFFF90] =	vst v4;
	v4 =	vld [tilespmem:s7+$0xFFFFFF80]  }
0x13a: {  	v11 =	vld [tilespmem:s7+$0xFFFFFFA0]  }
0x13b: {  	v8 =	vld [tilespmem:s15+$0x70]  }
0x13c: {  	v6 =	vld [tilespmem:s7+$0x10];
	v0 =	vadd.f32 v0, v2  }
0x13d: {  	v2 =	vld [tilespmem:s15+$0x10];
	v1 =	vadd.f32 v1, v3  }
0x13e: {  	v4 =	vadd.f32 v5, v4;
	v5 =	vld [tilespmem:s7+$0xFFFFFFB0];
	[tilespmem:s7+$0xFFFFFFC0] =	vst v0  }
0x13f: {  	v0 =	vld [tilespmem:s15+$0x60];
	[tilespmem:s7+$0xFFFFFFD0] =	vst v1  }
0x140: {  	[tilespmem:s7+$0xFFFFFF80] =	vst v4;
	v4 =	vadd.f32 v8, v7;
	v7 =	vld [tilespmem:s7+$0xFFFFFFF0]  }
0x141: {  	v12 =	vld [tilespmem:s15+$0xFFFFFFE0]  }
0x142: {  	v3 =	vadd.f32 v10, v9;
	v1 =	vld [tilespmem:s15+$0xFFFFFFF0]  }
0x143: {  	v2 =	vadd.f32 v2, v6;
	v6 =	vld [tilespmem:s7+$0xFFFFFFE0]  }
0x144: {  	[tilespmem:s7+$0x0] =	vst v3;
	v9 =	vld [tilespmem:s15+$0xFFFFFFA0]  }
0x145: {  	v10 =	vld [tilespmem:s15+$0xFFFFFFB0];
	[tilespmem:s7+$0x70] =	vst v4  }
0x146: {  	v4 =	vld [tilespmem:s7+$0x30];
	[tilespmem:s7+$0x10] =	vst v2  }
0x147: {  	v2 =	vld [tilespmem:s15+$0x20]  }
0x148: {  	v12 =	vadd.f32 v12, v6;
	v6 =	vld [tilespmem:s7+$0x20]  }
0x149: {  	v3 =	vld [tilespmem:s15+$0x30];
	v8 =	vadd.f32 v9, v11  }
0x14a: {  	s8 =	simm.s32 $0x0;
	s20 =	simm.s32 $0x12D80;
	v9 =	vadd.f32 v10, v5;
	v5 =	vld [tilespmem:s7+$0x60];
	[tilespmem:s7+$0xFFFFFFE0] =	vst v12  }
.LBB2_9:
0x14b: {  	v10 =	vld [tilespmem:s20+$0x40];
	[tilespmem:s7+$0xFFFFFFA0] =	vst v8  }
0x14c: {  	s15 =	sadd.s32 $0x100, s15;
	v8 =	vld [tilespmem:s20+$0x50];
	[tilespmem:s7+$0xFFFFFFB0] =	vst v9;
	v1 =	vadd.f32 v1, v7  }
0x14d: {  	v7 =	vld [tilespmem:s15+$0x40];
	v2 =	vadd.f32 v2, v6  }
0x14e: {  	s8 =	sadd.s32 $0x4, s8;
	v6 =	vld [tilespmem:s15+$0x50];
	[tilespmem:s7+$0xFFFFFFF0] =	vst v1;
	v1 =	vadd.f32 v3, v4  }
0x14f: {  	p0 =	slt.u32 s8, $0xC4;
	v3 =	vld [tilespmem:s20+$0xFFFFFF90];
	[tilespmem:s7+$0x20] =	vst v2;
	v0 =	vadd.f32 v0, v5  }
0x150: {  	v2 =	vld [tilespmem:s15+$0xFFFFFF80];
	[tilespmem:s7+$0x30] =	vst v1  }
0x151: {  	v1 =	vld [tilespmem:s15+$0xFFFFFF90];
	[tilespmem:s7+$0x60] =	vst v0;
	s7 =	smov.u32 s20  }
0x152: {  	v0 =	vld [tilespmem:s20+$0xFFFFFFC0];
	v4 =	vadd.f32 v7, v10  }
0x153: {  	v5 =	vld [tilespmem:s20+$0xFFFFFFD0];
	v6 =	vadd.f32 v6, v8  }
0x154: {  	v7 =	vld [tilespmem:s15+$0xFFFFFFC0];
	[tilespmem:s20+$0x40] =	vst v4  }
0x155: {  	[tilespmem:s20+$0x50] =	vst v6;
	v4 =	vld [tilespmem:s20+$0x70]  }
0x156: {  	v1 =	vadd.f32 v1, v3;
	v3 =	vld [tilespmem:s15+$0x70]  }
0x157: {  	v6 =	vld [tilespmem:s15+$0xFFFFFFD0]  }
0x158: {  	[tilespmem:s20+$0xFFFFFF90] =	vst v1;
	v1 =	vld [tilespmem:s20+$0x0]  }
0x159: {  	v0 =	vadd.f32 v7, v0;
	v7 =	vld [tilespmem:s20+$0x10]  }
0x15a: {  	v8 =	vld [tilespmem:s15+$0x0]  }
0x15b: {  	[tilespmem:s20+$0xFFFFFFC0] =	vst v0;
	v9 =	vld [tilespmem:s15+$0x10];
	v3 =	vadd.f32 v3, v4  }
0x15c: {  	v4 =	vld [tilespmem:s20+$0xFFFFFF80];
	v5 =	vadd.f32 v6, v5  }
0x15d: {  	v0 =	vld [tilespmem:s15+$0x60];
	[tilespmem:s20+$0x70] =	vst v3  }
0x15e: {  	v10 =	vld [tilespmem:s20+$0xFFFFFFA0];
	[tilespmem:s20+$0xFFFFFFD0] =	vst v5  }
0x15f: {  	v5 =	vld [tilespmem:s15+$0xFFFFFFE0];
	v3 =	vadd.f32 v8, v1  }
0x160: {  	v1 =	vld [tilespmem:s15+$0xFFFFFFF0];
	v6 =	vadd.f32 v9, v7  }
0x161: {  	v2 =	vadd.f32 v2, v4;
	v9 =	vld [tilespmem:s20+$0xFFFFFFB0];
	[tilespmem:s20+$0x0] =	vst v3  }
0x162: {  	v4 =	vld [tilespmem:s20+$0xFFFFFFE0];
	[tilespmem:s20+$0x10] =	vst v6  }
0x163: {  	[tilespmem:s20+$0xFFFFFF80] =	vst v2;
	v2 =	vld [tilespmem:s15+$0x20]  }
0x164: {  	v8 =	vld [tilespmem:s15+$0xFFFFFFA0]  }
0x165: {  	v11 =	vld [tilespmem:s15+$0xFFFFFFB0]  }
.Ltmp3:
0x166: {  	v3 =	vld [tilespmem:s15+$0x30];
	(pc) =	sbr.rel @p0 .LBB2_9-.Ltmp3, $4  }
0x167: {  	v7 =	vld [tilespmem:s20+$0xFFFFFFF0];
	v4 =	vadd.f32 v5, v4  }
0x168: {  	v6 =	vld [tilespmem:s20+$0x20]  }
0x169: {  	v8 =	vadd.f32 v8, v10;
	[tilespmem:s20+$0xFFFFFFE0] =	vst v4;
	v4 =	vld [tilespmem:s20+$0x30]  }
0x16a: {  	s20 =	sadd.s32 $0x100, s20;
	v9 =	vadd.f32 v11, v9;
	v5 =	vld [tilespmem:s7+$0x60]  }
0x16b: {  	_ = 	snop  }
0x16c: {  	[tilespmem:s7+$0xFFFFFFA0] =	vst v8;
	v1 =	vadd.f32 v1, v7  }
0x16d: {  	[tilespmem:s7+$0xFFFFFFB0] =	vst v9;
	v2 =	vadd.f32 v2, v6  }
0x16e: {  	s8 =	sadd.s32 s12, s11;
	[tilespmem:s7+$0xFFFFFFF0] =	vst v1;
	v1 =	vadd.f32 v3, v4  }
0x16f: {  	s8 =	sshll.u32 s8, $0x3;
	[tilespmem:s7+$0x20] =	vst v2;
	v0 =	vadd.f32 v0, v5  }
0x170: {  	s8 =	sand.u32 $0x1FFFFFC0, s8;
	[tilespmem:s7+$0x30] =	vst v1  }
0x171: {  	s8 =	sadd.s32 s2, s8;
	[tilespmem:s7+$0x60] =	vst v0  }
0x172: {  	[hbm4b:s8+s3] =	stream.linear.scatter [tilespmem:s1], [sflag:$0x8], $0x3200, $0x38;
	[tilespmem:$0x15E00] =	vst v63  }
0x173: {  	_ =	swait.ge [sflag:s0], $0x3200  }
0x174: {  	[sflag:s0] =	ssyncset.done $0x0  }
0x175: {  	s15 =	sadd.s32 $0x4B0, s12;
	[sflag:s0] =	ssyncadd.s32 $0xFFFFCE00  }
0x176: {  	[tilespmem:s26], [sflag:$0x3] =	stream.indirect.gather [hbm4b:s5+s17], $0x40, s15, s17, $0xb8;
	[tilespmem:$0x15E00] =	vst v63  }
0x177: {  	s20 =	sadd.s32 $0x530, s12  }
0x178: {  	[tilespmem:s29], [sflag:$0x3] =	stream.indirect.gather [hbm4b:s5+s19], $0x40, s20, s19, $0xb8;
	[tilespmem:$0x15E00] =	vst v63  }
0x179: {  	_ =	swait.ge [sflag:s30], $0x2000  }
0x17a: {  	[sflag:s30] =	ssyncset.done $0x0  }
0x17b: {  	[sflag:s30] =	ssyncadd.s32 $0xFFFFE000  }
0x17c: {  	_ =	swait.ge [sflag:s30], $0x1200  }
0x17d: {  	[sflag:s30] =	ssyncset.done $0x0  }
0x17e: {  	s7 =	simm.s32 $0x9680;
	[sflag:s30] =	ssyncadd.s32 $0xFFFFEE00  }
0x17f: {  	v0 =	vld [tilespmem:s7+$0x40]  }
0x180: {  	s15 =	simm.s32 $0x6480;
	v1 =	vld [tilespmem:s7+$0x50]  }
0x181: {  	v2 =	vld [tilespmem:s15+$0x40]  }
0x182: {  	v3 =	vld [tilespmem:s15+$0x50]  }
0x183: {  	v4 =	vld [tilespmem:s7+$0xFFFFFF90]  }
0x184: {  	v5 =	vld [tilespmem:s15+$0xFFFFFF80]  }
0x185: {  	v6 =	vld [tilespmem:s15+$0xFFFFFF90]  }
0x186: {  	v7 =	vld [tilespmem:s7+$0x70]  }
0x187: {  	v9 =	vld [tilespmem:s7+$0x0]  }
0x188: {  	v10 =	vld [tilespmem:s15+$0x0]  }
0x189: {  	v0 =	vadd.f32 v2, v0;
	v2 =	vld [tilespmem:s7+$0xFFFFFFC0]  }
0x18a: {  	v1 =	vadd.f32 v3, v1;
	v3 =	vld [tilespmem:s7+$0xFFFFFFD0]  }
0x18b: {  	v4 =	vadd.f32 v6, v4;
	[tilespmem:s7+$0x40] =	vst v0;
	v0 =	vld [tilespmem:s15+$0xFFFFFFC0]  }
0x18c: {  	[tilespmem:s7+$0x50] =	vst v1;
	v1 =	vld [tilespmem:s15+$0xFFFFFFD0]  }
0x18d: {  	[tilespmem:s7+$0xFFFFFF90] =	vst v4;
	v4 =	vld [tilespmem:s7+$0xFFFFFF80]  }
0x18e: {  	v11 =	vld [tilespmem:s7+$0xFFFFFFA0]  }
0x18f: {  	v8 =	vld [tilespmem:s15+$0x70]  }
0x190: {  	v6 =	vld [tilespmem:s7+$0x10];
	v0 =	vadd.f32 v0, v2  }
0x191: {  	v2 =	vld [tilespmem:s15+$0x10];
	v1 =	vadd.f32 v1, v3  }
0x192: {  	v4 =	vadd.f32 v5, v4;
	v5 =	vld [tilespmem:s7+$0xFFFFFFB0];
	[tilespmem:s7+$0xFFFFFFC0] =	vst v0  }
0x193: {  	v0 =	vld [tilespmem:s15+$0x60];
	[tilespmem:s7+$0xFFFFFFD0] =	vst v1  }
0x194: {  	[tilespmem:s7+$0xFFFFFF80] =	vst v4;
	v4 =	vadd.f32 v8, v7;
	v7 =	vld [tilespmem:s7+$0xFFFFFFF0]  }
0x195: {  	v12 =	vld [tilespmem:s15+$0xFFFFFFE0]  }
0x196: {  	v3 =	vadd.f32 v10, v9;
	v1 =	vld [tilespmem:s15+$0xFFFFFFF0]  }
0x197: {  	v2 =	vadd.f32 v2, v6;
	v6 =	vld [tilespmem:s7+$0xFFFFFFE0]  }
0x198: {  	[tilespmem:s7+$0x0] =	vst v3;
	v9 =	vld [tilespmem:s15+$0xFFFFFFA0]  }
0x199: {  	v10 =	vld [tilespmem:s15+$0xFFFFFFB0];
	[tilespmem:s7+$0x70] =	vst v4  }
0x19a: {  	v4 =	vld [tilespmem:s7+$0x30];
	[tilespmem:s7+$0x10] =	vst v2  }
0x19b: {  	v2 =	vld [tilespmem:s15+$0x20]  }
0x19c: {  	v12 =	vadd.f32 v12, v6;
	v6 =	vld [tilespmem:s7+$0x20]  }
0x19d: {  	v3 =	vld [tilespmem:s15+$0x30];
	v8 =	vadd.f32 v9, v11  }
0x19e: {  	s8 =	simm.s32 $0x0;
	s20 =	simm.s32 $0x9780;
	v9 =	vadd.f32 v10, v5;
	v5 =	vld [tilespmem:s7+$0x60];
	[tilespmem:s7+$0xFFFFFFE0] =	vst v12  }
.LBB2_11:
0x19f: {  	v10 =	vld [tilespmem:s20+$0x40];
	[tilespmem:s7+$0xFFFFFFA0] =	vst v8  }
0x1a0: {  	s15 =	sadd.s32 $0x100, s15;
	v8 =	vld [tilespmem:s20+$0x50];
	[tilespmem:s7+$0xFFFFFFB0] =	vst v9;
	v1 =	vadd.f32 v1, v7  }
0x1a1: {  	v7 =	vld [tilespmem:s15+$0x40];
	v2 =	vadd.f32 v2, v6  }
0x1a2: {  	s8 =	sadd.s32 $0x4, s8;
	v6 =	vld [tilespmem:s15+$0x50];
	[tilespmem:s7+$0xFFFFFFF0] =	vst v1;
	v1 =	vadd.f32 v3, v4  }
0x1a3: {  	p0 =	slt.u32 s8, $0xC4;
	v3 =	vld [tilespmem:s20+$0xFFFFFF90];
	[tilespmem:s7+$0x20] =	vst v2;
	v0 =	vadd.f32 v0, v5  }
0x1a4: {  	v2 =	vld [tilespmem:s15+$0xFFFFFF80];
	[tilespmem:s7+$0x30] =	vst v1  }
0x1a5: {  	v1 =	vld [tilespmem:s15+$0xFFFFFF90];
	[tilespmem:s7+$0x60] =	vst v0;
	s7 =	smov.u32 s20  }
0x1a6: {  	v0 =	vld [tilespmem:s20+$0xFFFFFFC0];
	v4 =	vadd.f32 v7, v10  }
0x1a7: {  	v5 =	vld [tilespmem:s20+$0xFFFFFFD0];
	v6 =	vadd.f32 v6, v8  }
0x1a8: {  	v7 =	vld [tilespmem:s15+$0xFFFFFFC0];
	[tilespmem:s20+$0x40] =	vst v4  }
0x1a9: {  	[tilespmem:s20+$0x50] =	vst v6;
	v4 =	vld [tilespmem:s20+$0x70]  }
0x1aa: {  	v1 =	vadd.f32 v1, v3;
	v3 =	vld [tilespmem:s15+$0x70]  }
0x1ab: {  	v6 =	vld [tilespmem:s15+$0xFFFFFFD0]  }
0x1ac: {  	[tilespmem:s20+$0xFFFFFF90] =	vst v1;
	v1 =	vld [tilespmem:s20+$0x0]  }
0x1ad: {  	v0 =	vadd.f32 v7, v0;
	v7 =	vld [tilespmem:s20+$0x10]  }
0x1ae: {  	v8 =	vld [tilespmem:s15+$0x0]  }
0x1af: {  	[tilespmem:s20+$0xFFFFFFC0] =	vst v0;
	v9 =	vld [tilespmem:s15+$0x10];
	v3 =	vadd.f32 v3, v4  }
0x1b0: {  	v4 =	vld [tilespmem:s20+$0xFFFFFF80];
	v5 =	vadd.f32 v6, v5  }
0x1b1: {  	v0 =	vld [tilespmem:s15+$0x60];
	[tilespmem:s20+$0x70] =	vst v3  }
0x1b2: {  	v10 =	vld [tilespmem:s20+$0xFFFFFFA0];
	[tilespmem:s20+$0xFFFFFFD0] =	vst v5  }
0x1b3: {  	v5 =	vld [tilespmem:s15+$0xFFFFFFE0];
	v3 =	vadd.f32 v8, v1  }
0x1b4: {  	v1 =	vld [tilespmem:s15+$0xFFFFFFF0];
	v6 =	vadd.f32 v9, v7  }
0x1b5: {  	v2 =	vadd.f32 v2, v4;
	v9 =	vld [tilespmem:s20+$0xFFFFFFB0];
	[tilespmem:s20+$0x0] =	vst v3  }
0x1b6: {  	v4 =	vld [tilespmem:s20+$0xFFFFFFE0];
	[tilespmem:s20+$0x10] =	vst v6  }
0x1b7: {  	[tilespmem:s20+$0xFFFFFF80] =	vst v2;
	v2 =	vld [tilespmem:s15+$0x20]  }
0x1b8: {  	v8 =	vld [tilespmem:s15+$0xFFFFFFA0]  }
0x1b9: {  	v11 =	vld [tilespmem:s15+$0xFFFFFFB0]  }
.Ltmp4:
0x1ba: {  	v3 =	vld [tilespmem:s15+$0x30];
	(pc) =	sbr.rel @p0 .LBB2_11-.Ltmp4, $4  }
0x1bb: {  	v7 =	vld [tilespmem:s20+$0xFFFFFFF0];
	v4 =	vadd.f32 v5, v4  }
0x1bc: {  	v6 =	vld [tilespmem:s20+$0x20]  }
0x1bd: {  	v8 =	vadd.f32 v8, v10;
	[tilespmem:s20+$0xFFFFFFE0] =	vst v4;
	v4 =	vld [tilespmem:s20+$0x30]  }
0x1be: {  	s20 =	sadd.s32 $0x100, s20;
	v9 =	vadd.f32 v11, v9;
	v5 =	vld [tilespmem:s7+$0x60]  }
0x1bf: {  	_ = 	snop  }
0x1c0: {  	[tilespmem:s7+$0xFFFFFFA0] =	vst v8;
	v1 =	vadd.f32 v1, v7  }
0x1c1: {  	[tilespmem:s7+$0xFFFFFFB0] =	vst v9;
	v2 =	vadd.f32 v2, v6  }
0x1c2: {  	s8 =	sadd.s32 s4, s13;
	[tilespmem:s7+$0xFFFFFFF0] =	vst v1;
	v1 =	vadd.f32 v3, v4  }
0x1c3: {  	s8 =	sshll.u32 s8, $0x3;
	[tilespmem:s7+$0x20] =	vst v2;
	v0 =	vadd.f32 v0, v5  }
0x1c4: {  	s8 =	sand.u32 $0x1FFFFF00, s8;
	[tilespmem:s7+$0x30] =	vst v1  }
0x1c5: {  	s13 =	sadd.s32 s2, s8;
	[tilespmem:s7+$0x60] =	vst v0  }
0x1c6: {  	[hbm4b:s13+s3] =	stream.linear.scatter [tilespmem:s18], [sflag:$0x5], $0x3200, $0x38;
	[tilespmem:$0x15E00] =	vst v63  }
0x1c7: {  	_ =	swait.ge [sflag:s6], $0x3200  }
0x1c8: {  	[sflag:s6] =	ssyncset.done $0x0  }
0x1c9: {  	s15 =	sadd.s32 $0x578, s12;
	[sflag:s6] =	ssyncadd.s32 $0xFFFFCE00  }
0x1ca: {  	[tilespmem:s1], [sflag:$0x4] =	stream.indirect.gather [hbm4b:s5+s17], $0x40, s15, s17, $0xb8;
	[tilespmem:$0x15E00] =	vst v63  }
0x1cb: {  	s20 =	sadd.s32 $0x5F8, s12  }
0x1cc: {  	[tilespmem:s16], [sflag:$0x4] =	stream.indirect.gather [hbm4b:s5+s19], $0x40, s20, s19, $0xb8;
	[tilespmem:$0x15E00] =	vst v63  }
0x1cd: {  	_ =	swait.ge [sflag:s21], $0x2000  }
0x1ce: {  	[sflag:s21] =	ssyncset.done $0x0  }
0x1cf: {  	[sflag:s21] =	ssyncadd.s32 $0xFFFFE000  }
0x1d0: {  	_ =	swait.ge [sflag:s21], $0x1200  }
0x1d1: {  	[sflag:s21] =	ssyncset.done $0x0  }
0x1d2: {  	s7 =	simm.s32 $0xC880;
	[sflag:s21] =	ssyncadd.s32 $0xFFFFEE00  }
0x1d3: {  	v0 =	vld [tilespmem:s7+$0x40]  }
0x1d4: {  	s12 =	simm.s32 $0x6480;
	v1 =	vld [tilespmem:s7+$0x50]  }
0x1d5: {  	v2 =	vld [tilespmem:s12+$0x40]  }
0x1d6: {  	v3 =	vld [tilespmem:s12+$0x50]  }
0x1d7: {  	v4 =	vld [tilespmem:s7+$0xFFFFFF90]  }
0x1d8: {  	v5 =	vld [tilespmem:s12+$0xFFFFFF80]  }
0x1d9: {  	v6 =	vld [tilespmem:s12+$0xFFFFFF90]  }
0x1da: {  	v7 =	vld [tilespmem:s7+$0x70]  }
0x1db: {  	v9 =	vld [tilespmem:s7+$0x0]  }
0x1dc: {  	v10 =	vld [tilespmem:s12+$0x0]  }
0x1dd: {  	v0 =	vadd.f32 v2, v0;
	v2 =	vld [tilespmem:s7+$0xFFFFFFC0]  }
0x1de: {  	v1 =	vadd.f32 v3, v1;
	v3 =	vld [tilespmem:s7+$0xFFFFFFD0]  }
0x1df: {  	v4 =	vadd.f32 v6, v4;
	[tilespmem:s7+$0x40] =	vst v0;
	v0 =	vld [tilespmem:s12+$0xFFFFFFC0]  }
0x1e0: {  	[tilespmem:s7+$0x50] =	vst v1;
	v1 =	vld [tilespmem:s12+$0xFFFFFFD0]  }
0x1e1: {  	[tilespmem:s7+$0xFFFFFF90] =	vst v4;
	v4 =	vld [tilespmem:s7+$0xFFFFFF80]  }
0x1e2: {  	v11 =	vld [tilespmem:s7+$0xFFFFFFA0]  }
0x1e3: {  	v8 =	vld [tilespmem:s12+$0x70]  }
0x1e4: {  	v6 =	vld [tilespmem:s7+$0x10];
	v0 =	vadd.f32 v0, v2  }
0x1e5: {  	v2 =	vld [tilespmem:s12+$0x10];
	v1 =	vadd.f32 v1, v3  }
0x1e6: {  	v4 =	vadd.f32 v5, v4;
	v5 =	vld [tilespmem:s7+$0xFFFFFFB0];
	[tilespmem:s7+$0xFFFFFFC0] =	vst v0  }
0x1e7: {  	v0 =	vld [tilespmem:s12+$0x60];
	[tilespmem:s7+$0xFFFFFFD0] =	vst v1  }
0x1e8: {  	[tilespmem:s7+$0xFFFFFF80] =	vst v4;
	v4 =	vadd.f32 v8, v7;
	v7 =	vld [tilespmem:s7+$0xFFFFFFF0]  }
0x1e9: {  	v12 =	vld [tilespmem:s12+$0xFFFFFFE0]  }
0x1ea: {  	v3 =	vadd.f32 v10, v9;
	v1 =	vld [tilespmem:s12+$0xFFFFFFF0]  }
0x1eb: {  	v2 =	vadd.f32 v2, v6;
	v6 =	vld [tilespmem:s7+$0xFFFFFFE0]  }
0x1ec: {  	[tilespmem:s7+$0x0] =	vst v3;
	v9 =	vld [tilespmem:s12+$0xFFFFFFA0]  }
0x1ed: {  	v10 =	vld [tilespmem:s12+$0xFFFFFFB0];
	[tilespmem:s7+$0x70] =	vst v4  }
0x1ee: {  	v4 =	vld [tilespmem:s7+$0x30];
	[tilespmem:s7+$0x10] =	vst v2  }
0x1ef: {  	v2 =	vld [tilespmem:s12+$0x20]  }
0x1f0: {  	v12 =	vadd.f32 v12, v6;
	v6 =	vld [tilespmem:s7+$0x20]  }
0x1f1: {  	v3 =	vld [tilespmem:s12+$0x30];
	v8 =	vadd.f32 v9, v11  }
0x1f2: {  	s8 =	simm.s32 $0x0;
	s13 =	simm.s32 $0xC980;
	v9 =	vadd.f32 v10, v5;
	v5 =	vld [tilespmem:s7+$0x60];
	[tilespmem:s7+$0xFFFFFFE0] =	vst v12  }
.LBB2_13:
0x1f3: {  	v10 =	vld [tilespmem:s13+$0x40];
	[tilespmem:s7+$0xFFFFFFA0] =	vst v8  }
0x1f4: {  	s12 =	sadd.s32 $0x100, s12;
	v8 =	vld [tilespmem:s13+$0x50];
	[tilespmem:s7+$0xFFFFFFB0] =	vst v9;
	v1 =	vadd.f32 v1, v7  }
0x1f5: {  	v7 =	vld [tilespmem:s12+$0x40];
	v2 =	vadd.f32 v2, v6  }
0x1f6: {  	s8 =	sadd.s32 $0x4, s8;
	v6 =	vld [tilespmem:s12+$0x50];
	[tilespmem:s7+$0xFFFFFFF0] =	vst v1;
	v1 =	vadd.f32 v3, v4  }
0x1f7: {  	p0 =	slt.u32 s8, $0xC4;
	v3 =	vld [tilespmem:s13+$0xFFFFFF90];
	[tilespmem:s7+$0x20] =	vst v2;
	v0 =	vadd.f32 v0, v5  }
0x1f8: {  	v2 =	vld [tilespmem:s12+$0xFFFFFF80];
	[tilespmem:s7+$0x30] =	vst v1  }
0x1f9: {  	v1 =	vld [tilespmem:s12+$0xFFFFFF90];
	[tilespmem:s7+$0x60] =	vst v0;
	s7 =	smov.u32 s13  }
0x1fa: {  	v0 =	vld [tilespmem:s13+$0xFFFFFFC0];
	v4 =	vadd.f32 v7, v10  }
0x1fb: {  	v5 =	vld [tilespmem:s13+$0xFFFFFFD0];
	v6 =	vadd.f32 v6, v8  }
0x1fc: {  	v7 =	vld [tilespmem:s12+$0xFFFFFFC0];
	[tilespmem:s13+$0x40] =	vst v4  }
0x1fd: {  	[tilespmem:s13+$0x50] =	vst v6;
	v4 =	vld [tilespmem:s13+$0x70]  }
0x1fe: {  	v1 =	vadd.f32 v1, v3;
	v3 =	vld [tilespmem:s12+$0x70]  }
0x1ff: {  	v6 =	vld [tilespmem:s12+$0xFFFFFFD0]  }
0x200: {  	[tilespmem:s13+$0xFFFFFF90] =	vst v1;
	v1 =	vld [tilespmem:s13+$0x0]  }
0x201: {  	v0 =	vadd.f32 v7, v0;
	v7 =	vld [tilespmem:s13+$0x10]  }
0x202: {  	v8 =	vld [tilespmem:s12+$0x0]  }
0x203: {  	[tilespmem:s13+$0xFFFFFFC0] =	vst v0;
	v9 =	vld [tilespmem:s12+$0x10];
	v3 =	vadd.f32 v3, v4  }
0x204: {  	v4 =	vld [tilespmem:s13+$0xFFFFFF80];
	v5 =	vadd.f32 v6, v5  }
0x205: {  	v0 =	vld [tilespmem:s12+$0x60];
	[tilespmem:s13+$0x70] =	vst v3  }
0x206: {  	v10 =	vld [tilespmem:s13+$0xFFFFFFA0];
	[tilespmem:s13+$0xFFFFFFD0] =	vst v5  }
0x207: {  	v5 =	vld [tilespmem:s12+$0xFFFFFFE0];
	v3 =	vadd.f32 v8, v1  }
0x208: {  	v1 =	vld [tilespmem:s12+$0xFFFFFFF0];
	v6 =	vadd.f32 v9, v7  }
0x209: {  	v2 =	vadd.f32 v2, v4;
	v9 =	vld [tilespmem:s13+$0xFFFFFFB0];
	[tilespmem:s13+$0x0] =	vst v3  }
0x20a: {  	v4 =	vld [tilespmem:s13+$0xFFFFFFE0];
	[tilespmem:s13+$0x10] =	vst v6  }
0x20b: {  	[tilespmem:s13+$0xFFFFFF80] =	vst v2;
	v2 =	vld [tilespmem:s12+$0x20]  }
0x20c: {  	v8 =	vld [tilespmem:s12+$0xFFFFFFA0]  }
0x20d: {  	v11 =	vld [tilespmem:s12+$0xFFFFFFB0]  }
.Ltmp5:
0x20e: {  	v3 =	vld [tilespmem:s12+$0x30];
	(pc) =	sbr.rel @p0 .LBB2_13-.Ltmp5, $4  }
0x20f: {  	v7 =	vld [tilespmem:s13+$0xFFFFFFF0];
	v4 =	vadd.f32 v5, v4  }
0x210: {  	v6 =	vld [tilespmem:s13+$0x20]  }
0x211: {  	v8 =	vadd.f32 v8, v10;
	[tilespmem:s13+$0xFFFFFFE0] =	vst v4;
	v4 =	vld [tilespmem:s13+$0x30]  }
0x212: {  	s13 =	sadd.s32 $0x100, s13;
	v9 =	vadd.f32 v11, v9;
	v5 =	vld [tilespmem:s7+$0x60]  }
0x213: {  	_ = 	snop  }
0x214: {  	[tilespmem:s7+$0xFFFFFFA0] =	vst v8;
	s9 =	sadd.s32 $0x1, s9;
	v1 =	vadd.f32 v1, v7  }
0x215: {  	[tilespmem:s7+$0xFFFFFFB0] =	vst v9;
	p0 =	sne.s32 s9, $0x1F;
	v2 =	vadd.f32 v2, v6  }
.Ltmp6:
0x216: {  	s8 =	sadd.s32 s4, s14;
	[tilespmem:s7+$0xFFFFFFF0] =	vst v1;
	v63 =	vadd.f32 v3, v4;
	(pc) =	sbr.rel @p0 .LBB2_6-.Ltmp6, $4  }
0x217: {  	s8 =	sshll.u32 s8, $0x3;
	[tilespmem:s7+$0x20] =	vst v2;
	v0 =	vadd.f32 v0, v5  }
0x218: {  	s8 =	sand.u32 $0x1FFFFF40, s8;
	[tilespmem:s7+$0x30] =	vst v63  }
0x219: {  	s20 =	sadd.s32 s2, s8;
	[tilespmem:s7+$0x60] =	vst v0  }
0x21a: {  	[hbm4b:s20+s3] =	stream.linear.scatter [tilespmem:s22], [sflag:$0x6], $0x3200, $0x38;
	[tilespmem:$0x15E00] =	vst v63  }
0x21b: {  	_ =	swait.ge [sflag:s25], $0x2000  }
0x21c: {  	[sflag:s25] =	ssyncset.done $0x0  }
0x21d: {  	[sflag:s25] =	ssyncadd.s32 $0xFFFFE000  }
0x21e: {  	_ =	swait.ge [sflag:s25], $0x1200  }
0x21f: {  	[sflag:s25] =	ssyncset.done $0x0  }
0x220: {  	s7 =	simm.s32 $0xFA80;
	[sflag:s25] =	ssyncadd.s32 $0xFFFFEE00  }
0x221: {  	v0 =	vld [tilespmem:s7+$0x40]  }
0x222: {  	s9 =	simm.s32 $0x6480;
	v1 =	vld [tilespmem:s7+$0x50]  }
0x223: {  	v2 =	vld [tilespmem:s9+$0x40]  }
0x224: {  	v3 =	vld [tilespmem:s9+$0x50]  }
0x225: {  	v4 =	vld [tilespmem:s7+$0xFFFFFF90]  }
0x226: {  	v5 =	vld [tilespmem:s9+$0xFFFFFF80]  }
0x227: {  	v6 =	vld [tilespmem:s9+$0xFFFFFF90]  }
0x228: {  	v7 =	vld [tilespmem:s7+$0x70]  }
0x229: {  	v9 =	vld [tilespmem:s7+$0x0]  }
0x22a: {  	v10 =	vld [tilespmem:s9+$0x0]  }
0x22b: {  	v0 =	vadd.f32 v2, v0;
	v2 =	vld [tilespmem:s7+$0xFFFFFFC0]  }
0x22c: {  	v1 =	vadd.f32 v3, v1;
	v3 =	vld [tilespmem:s7+$0xFFFFFFD0]  }
0x22d: {  	v4 =	vadd.f32 v6, v4;
	[tilespmem:s7+$0x40] =	vst v0;
	v0 =	vld [tilespmem:s9+$0xFFFFFFC0]  }
0x22e: {  	[tilespmem:s7+$0x50] =	vst v1;
	v1 =	vld [tilespmem:s9+$0xFFFFFFD0]  }
0x22f: {  	[tilespmem:s7+$0xFFFFFF90] =	vst v4;
	v4 =	vld [tilespmem:s7+$0xFFFFFF80]  }
0x230: {  	v11 =	vld [tilespmem:s7+$0xFFFFFFA0]  }
0x231: {  	v8 =	vld [tilespmem:s9+$0x70]  }
0x232: {  	v6 =	vld [tilespmem:s7+$0x10];
	v0 =	vadd.f32 v0, v2  }
0x233: {  	v2 =	vld [tilespmem:s9+$0x10];
	v1 =	vadd.f32 v1, v3  }
0x234: {  	v4 =	vadd.f32 v5, v4;
	v5 =	vld [tilespmem:s7+$0xFFFFFFE0];
	[tilespmem:s7+$0xFFFFFFC0] =	vst v0  }
0x235: {  	v0 =	vld [tilespmem:s9+$0x60];
	[tilespmem:s7+$0xFFFFFFD0] =	vst v1  }
0x236: {  	[tilespmem:s7+$0xFFFFFF80] =	vst v4;
	v4 =	vadd.f32 v8, v7;
	v7 =	vld [tilespmem:s7+$0xFFFFFFF0]  }
0x237: {  	v12 =	vld [tilespmem:s9+$0xFFFFFFE0]  }
0x238: {  	v3 =	vadd.f32 v10, v9;
	v1 =	vld [tilespmem:s9+$0xFFFFFFF0]  }
0x239: {  	v9 =	vld [tilespmem:s9+$0xFFFFFFA0]  }
0x23a: {  	[tilespmem:s7+$0x0] =	vst v3;
	v10 =	vld [tilespmem:s9+$0xFFFFFFB0];
	v2 =	vadd.f32 v2, v6  }
0x23b: {  	[tilespmem:s7+$0x70] =	vst v4;
	v6 =	vld [tilespmem:s7+$0xFFFFFFB0]  }
0x23c: {  	v4 =	vld [tilespmem:s7+$0x30];
	[tilespmem:s7+$0x10] =	vst v2  }
0x23d: {  	v2 =	vld [tilespmem:s9+$0x20]  }
0x23e: {  	v12 =	vadd.f32 v12, v5;
	v5 =	vld [tilespmem:s7+$0x20]  }
0x23f: {  	v3 =	vld [tilespmem:s9+$0x30];
	v8 =	vadd.f32 v9, v11  }
0x240: {  	s8 =	simm.s32 $0x0;
	s12 =	simm.s32 $0xFB80;
	[tilespmem:s7+$0xFFFFFFE0] =	vst v12;
	v9 =	vadd.f32 v10, v6;
	v6 =	vld [tilespmem:s7+$0x60]  }
.LBB2_16:
0x241: {  	v10 =	vld [tilespmem:s12+$0x40];
	[tilespmem:s7+$0xFFFFFFA0] =	vst v8  }
0x242: {  	s9 =	sadd.s32 $0x100, s9;
	v8 =	vld [tilespmem:s12+$0x50];
	[tilespmem:s7+$0xFFFFFFB0] =	vst v9;
	v1 =	vadd.f32 v1, v7  }
0x243: {  	v7 =	vld [tilespmem:s9+$0x40];
	v2 =	vadd.f32 v2, v5  }
0x244: {  	s8 =	sadd.s32 $0x4, s8;
	v5 =	vld [tilespmem:s9+$0x50];
	[tilespmem:s7+$0xFFFFFFF0] =	vst v1;
	v1 =	vadd.f32 v3, v4  }
0x245: {  	p0 =	slt.u32 s8, $0xC4;
	v3 =	vld [tilespmem:s12+$0xFFFFFF90];
	[tilespmem:s7+$0x20] =	vst v2;
	v0 =	vadd.f32 v0, v6  }
0x246: {  	v2 =	vld [tilespmem:s9+$0xFFFFFF80];
	[tilespmem:s7+$0x30] =	vst v1  }
0x247: {  	v1 =	vld [tilespmem:s9+$0xFFFFFF90];
	[tilespmem:s7+$0x60] =	vst v0;
	s7 =	smov.u32 s12  }
0x248: {  	v0 =	vld [tilespmem:s12+$0xFFFFFFC0];
	v4 =	vadd.f32 v7, v10  }
0x249: {  	v6 =	vld [tilespmem:s12+$0xFFFFFFD0];
	v5 =	vadd.f32 v5, v8  }
0x24a: {  	v7 =	vld [tilespmem:s9+$0xFFFFFFC0];
	[tilespmem:s12+$0x40] =	vst v4  }
0x24b: {  	[tilespmem:s12+$0x50] =	vst v5;
	v4 =	vld [tilespmem:s12+$0x70]  }
0x24c: {  	v1 =	vadd.f32 v1, v3;
	v3 =	vld [tilespmem:s9+$0x70]  }
0x24d: {  	v5 =	vld [tilespmem:s9+$0xFFFFFFD0]  }
0x24e: {  	[tilespmem:s12+$0xFFFFFF90] =	vst v1;
	v1 =	vld [tilespmem:s12+$0x0]  }
0x24f: {  	v0 =	vadd.f32 v7, v0;
	v7 =	vld [tilespmem:s12+$0x10]  }
0x250: {  	v8 =	vld [tilespmem:s9+$0x0]  }
0x251: {  	[tilespmem:s12+$0xFFFFFFC0] =	vst v0;
	v9 =	vld [tilespmem:s9+$0x10];
	v3 =	vadd.f32 v3, v4  }
0x252: {  	v4 =	vld [tilespmem:s12+$0xFFFFFF80];
	v5 =	vadd.f32 v5, v6  }
0x253: {  	v0 =	vld [tilespmem:s9+$0x60];
	[tilespmem:s12+$0x70] =	vst v3  }
0x254: {  	v6 =	vld [tilespmem:s12+$0xFFFFFFA0];
	[tilespmem:s12+$0xFFFFFFD0] =	vst v5  }
0x255: {  	v5 =	vld [tilespmem:s9+$0xFFFFFFE0];
	v3 =	vadd.f32 v8, v1  }
0x256: {  	v1 =	vld [tilespmem:s9+$0xFFFFFFF0];
	v7 =	vadd.f32 v9, v7  }
0x257: {  	v2 =	vadd.f32 v2, v4;
	v9 =	vld [tilespmem:s12+$0xFFFFFFB0];
	[tilespmem:s12+$0x0] =	vst v3  }
0x258: {  	v4 =	vld [tilespmem:s12+$0xFFFFFFE0];
	[tilespmem:s12+$0x10] =	vst v7  }
0x259: {  	[tilespmem:s12+$0xFFFFFF80] =	vst v2;
	v2 =	vld [tilespmem:s9+$0x20]  }
0x25a: {  	v8 =	vld [tilespmem:s9+$0xFFFFFFA0]  }
0x25b: {  	v10 =	vld [tilespmem:s9+$0xFFFFFFB0]  }
.Ltmp7:
0x25c: {  	v3 =	vld [tilespmem:s9+$0x30];
	(pc) =	sbr.rel @p0 .LBB2_16-.Ltmp7, $4  }
0x25d: {  	v7 =	vld [tilespmem:s12+$0xFFFFFFF0];
	v4 =	vadd.f32 v5, v4  }
0x25e: {  	v5 =	vld [tilespmem:s12+$0x20]  }
0x25f: {  	v8 =	vadd.f32 v8, v6;
	[tilespmem:s12+$0xFFFFFFE0] =	vst v4;
	v4 =	vld [tilespmem:s12+$0x30]  }
0x260: {  	s12 =	sadd.s32 $0x100, s12;
	v9 =	vadd.f32 v10, v9;
	v6 =	vld [tilespmem:s7+$0x60]  }
0x261: {  	_ = 	snop  }
0x262: {  	[tilespmem:s7+$0xFFFFFFA0] =	vst v8;
	v1 =	vadd.f32 v1, v7  }
0x263: {  	[tilespmem:s7+$0xFFFFFFB0] =	vst v9;
	v2 =	vadd.f32 v2, v5  }
0x264: {  	[tilespmem:s7+$0xFFFFFFF0] =	vst v1;
	v1 =	vadd.f32 v3, v4  }
0x265: {  	[tilespmem:s7+$0x20] =	vst v2;
	v0 =	vadd.f32 v0, v6  }
0x266: {  	[tilespmem:s7+$0x30] =	vst v1  }
0x267: {  	[tilespmem:s7+$0x60] =	vst v0  }
0x268: {  	s7 =	rddreg [dreg:$0x7]  }
0x269: {  	[hbm4b:s7+s3] =	stream.linear.scatter [tilespmem:s26], [sflag:$0x7], $0x3200, $0x38;
	[tilespmem:$0x15E00] =	vst v63  }
0x26a: {  	_ =	swait.ge [sflag:s31], $0x2000  }
0x26b: {  	[sflag:s31] =	ssyncset.done $0x0  }
0x26c: {  	[sflag:s31] =	ssyncadd.s32 $0xFFFFE000  }
0x26d: {  	_ =	swait.ge [sflag:s31], $0x1200  }
0x26e: {  	[sflag:s31] =	ssyncset.done $0x0  }
0x26f: {  	s7 =	simm.s32 $0x12C80;
	[sflag:s31] =	ssyncadd.s32 $0xFFFFEE00  }
0x270: {  	v0 =	vld [tilespmem:s7+$0x40]  }
0x271: {  	s9 =	simm.s32 $0x6480;
	v1 =	vld [tilespmem:s7+$0x50]  }
0x272: {  	v2 =	vld [tilespmem:s9+$0x40]  }
0x273: {  	v3 =	vld [tilespmem:s9+$0x50]  }
0x274: {  	v4 =	vld [tilespmem:s7+$0xFFFFFF90]  }
0x275: {  	v5 =	vld [tilespmem:s9+$0xFFFFFF80]  }
0x276: {  	v6 =	vld [tilespmem:s9+$0xFFFFFF90]  }
0x277: {  	v7 =	vld [tilespmem:s7+$0x70]  }
0x278: {  	v9 =	vld [tilespmem:s7+$0x0]  }
0x279: {  	v10 =	vld [tilespmem:s9+$0x0]  }
0x27a: {  	v0 =	vadd.f32 v2, v0;
	v2 =	vld [tilespmem:s7+$0xFFFFFFC0]  }
0x27b: {  	v1 =	vadd.f32 v3, v1;
	v3 =	vld [tilespmem:s7+$0xFFFFFFD0]  }
0x27c: {  	v4 =	vadd.f32 v6, v4;
	[tilespmem:s7+$0x40] =	vst v0;
	v0 =	vld [tilespmem:s9+$0xFFFFFFC0]  }
0x27d: {  	[tilespmem:s7+$0x50] =	vst v1;
	v1 =	vld [tilespmem:s9+$0xFFFFFFD0]  }
0x27e: {  	[tilespmem:s7+$0xFFFFFF90] =	vst v4;
	v4 =	vld [tilespmem:s7+$0xFFFFFF80]  }
0x27f: {  	v11 =	vld [tilespmem:s7+$0xFFFFFFA0]  }
0x280: {  	v8 =	vld [tilespmem:s9+$0x70]  }
0x281: {  	v6 =	vld [tilespmem:s7+$0x10];
	v0 =	vadd.f32 v0, v2  }
0x282: {  	v2 =	vld [tilespmem:s9+$0x10];
	v1 =	vadd.f32 v1, v3  }
0x283: {  	v4 =	vadd.f32 v5, v4;
	v5 =	vld [tilespmem:s7+$0xFFFFFFE0];
	[tilespmem:s7+$0xFFFFFFC0] =	vst v0  }
0x284: {  	v0 =	vld [tilespmem:s9+$0x60];
	[tilespmem:s7+$0xFFFFFFD0] =	vst v1  }
0x285: {  	[tilespmem:s7+$0xFFFFFF80] =	vst v4;
	v4 =	vadd.f32 v8, v7;
	v7 =	vld [tilespmem:s7+$0xFFFFFFF0]  }
0x286: {  	v12 =	vld [tilespmem:s9+$0xFFFFFFE0]  }
0x287: {  	v3 =	vadd.f32 v10, v9;
	v1 =	vld [tilespmem:s9+$0xFFFFFFF0]  }
0x288: {  	v9 =	vld [tilespmem:s9+$0xFFFFFFA0]  }
0x289: {  	[tilespmem:s7+$0x0] =	vst v3;
	v10 =	vld [tilespmem:s9+$0xFFFFFFB0];
	v2 =	vadd.f32 v2, v6  }
0x28a: {  	[tilespmem:s7+$0x70] =	vst v4;
	v6 =	vld [tilespmem:s7+$0xFFFFFFB0]  }
0x28b: {  	v4 =	vld [tilespmem:s7+$0x30];
	[tilespmem:s7+$0x10] =	vst v2  }
0x28c: {  	v2 =	vld [tilespmem:s9+$0x20]  }
0x28d: {  	v12 =	vadd.f32 v12, v5;
	v5 =	vld [tilespmem:s7+$0x20]  }
0x28e: {  	v3 =	vld [tilespmem:s9+$0x30];
	v8 =	vadd.f32 v9, v11  }
0x28f: {  	s8 =	simm.s32 $0x0;
	s12 =	simm.s32 $0x12D80;
	[tilespmem:s7+$0xFFFFFFE0] =	vst v12;
	v9 =	vadd.f32 v10, v6;
	v6 =	vld [tilespmem:s7+$0x60]  }
.LBB2_18:
0x290: {  	v10 =	vld [tilespmem:s12+$0x40];
	[tilespmem:s7+$0xFFFFFFA0] =	vst v8  }
0x291: {  	s9 =	sadd.s32 $0x100, s9;
	v8 =	vld [tilespmem:s12+$0x50];
	[tilespmem:s7+$0xFFFFFFB0] =	vst v9;
	v1 =	vadd.f32 v1, v7  }
0x292: {  	v7 =	vld [tilespmem:s9+$0x40];
	v2 =	vadd.f32 v2, v5  }
0x293: {  	s8 =	sadd.s32 $0x4, s8;
	v5 =	vld [tilespmem:s9+$0x50];
	[tilespmem:s7+$0xFFFFFFF0] =	vst v1;
	v1 =	vadd.f32 v3, v4  }
0x294: {  	p0 =	slt.u32 s8, $0xC4;
	v3 =	vld [tilespmem:s12+$0xFFFFFF90];
	[tilespmem:s7+$0x20] =	vst v2;
	v0 =	vadd.f32 v0, v6  }
0x295: {  	v2 =	vld [tilespmem:s9+$0xFFFFFF80];
	[tilespmem:s7+$0x30] =	vst v1  }
0x296: {  	v1 =	vld [tilespmem:s9+$0xFFFFFF90];
	[tilespmem:s7+$0x60] =	vst v0;
	s7 =	smov.u32 s12  }
0x297: {  	v0 =	vld [tilespmem:s12+$0xFFFFFFC0];
	v4 =	vadd.f32 v7, v10  }
0x298: {  	v6 =	vld [tilespmem:s12+$0xFFFFFFD0];
	v5 =	vadd.f32 v5, v8  }
0x299: {  	v7 =	vld [tilespmem:s9+$0xFFFFFFC0];
	[tilespmem:s12+$0x40] =	vst v4  }
0x29a: {  	[tilespmem:s12+$0x50] =	vst v5;
	v4 =	vld [tilespmem:s12+$0x70]  }
0x29b: {  	v1 =	vadd.f32 v1, v3;
	v3 =	vld [tilespmem:s9+$0x70]  }
0x29c: {  	v5 =	vld [tilespmem:s9+$0xFFFFFFD0]  }
0x29d: {  	[tilespmem:s12+$0xFFFFFF90] =	vst v1;
	v1 =	vld [tilespmem:s12+$0x0]  }
0x29e: {  	v0 =	vadd.f32 v7, v0;
	v7 =	vld [tilespmem:s12+$0x10]  }
0x29f: {  	v8 =	vld [tilespmem:s9+$0x0]  }
0x2a0: {  	[tilespmem:s12+$0xFFFFFFC0] =	vst v0;
	v9 =	vld [tilespmem:s9+$0x10];
	v3 =	vadd.f32 v3, v4  }
0x2a1: {  	v4 =	vld [tilespmem:s12+$0xFFFFFF80];
	v5 =	vadd.f32 v5, v6  }
0x2a2: {  	v0 =	vld [tilespmem:s9+$0x60];
	[tilespmem:s12+$0x70] =	vst v3  }
0x2a3: {  	v6 =	vld [tilespmem:s12+$0xFFFFFFA0];
	[tilespmem:s12+$0xFFFFFFD0] =	vst v5  }
0x2a4: {  	v5 =	vld [tilespmem:s9+$0xFFFFFFE0];
	v3 =	vadd.f32 v8, v1  }
0x2a5: {  	v1 =	vld [tilespmem:s9+$0xFFFFFFF0];
	v7 =	vadd.f32 v9, v7  }
0x2a6: {  	v2 =	vadd.f32 v2, v4;
	v9 =	vld [tilespmem:s12+$0xFFFFFFB0];
	[tilespmem:s12+$0x0] =	vst v3  }
0x2a7: {  	v4 =	vld [tilespmem:s12+$0xFFFFFFE0];
	[tilespmem:s12+$0x10] =	vst v7  }
0x2a8: {  	[tilespmem:s12+$0xFFFFFF80] =	vst v2;
	v2 =	vld [tilespmem:s9+$0x20]  }
0x2a9: {  	v8 =	vld [tilespmem:s9+$0xFFFFFFA0]  }
0x2aa: {  	v10 =	vld [tilespmem:s9+$0xFFFFFFB0]  }
.Ltmp8:
0x2ab: {  	v3 =	vld [tilespmem:s9+$0x30];
	(pc) =	sbr.rel @p0 .LBB2_18-.Ltmp8, $4  }
0x2ac: {  	v7 =	vld [tilespmem:s12+$0xFFFFFFF0];
	v4 =	vadd.f32 v5, v4  }
0x2ad: {  	v5 =	vld [tilespmem:s12+$0x20]  }
0x2ae: {  	v8 =	vadd.f32 v8, v6;
	[tilespmem:s12+$0xFFFFFFE0] =	vst v4;
	v4 =	vld [tilespmem:s12+$0x30]  }
0x2af: {  	s12 =	sadd.s32 $0x100, s12;
	v9 =	vadd.f32 v10, v9;
	v6 =	vld [tilespmem:s7+$0x60]  }
0x2b0: {  	_ = 	snop  }
0x2b1: {  	[tilespmem:s7+$0xFFFFFFA0] =	vst v8;
	v1 =	vadd.f32 v1, v7  }
0x2b2: {  	[tilespmem:s7+$0xFFFFFFB0] =	vst v9;
	v2 =	vadd.f32 v2, v5  }
0x2b3: {  	[tilespmem:s7+$0xFFFFFFF0] =	vst v1;
	v63 =	vadd.f32 v3, v4  }
0x2b4: {  	[tilespmem:s7+$0x20] =	vst v2;
	v0 =	vadd.f32 v0, v6  }
0x2b5: {  	[tilespmem:s7+$0x30] =	vst v63  }
0x2b6: {  	[tilespmem:s7+$0x60] =	vst v0  }
0x2b7: {  	s7 =	rddreg [dreg:$0x8]  }
0x2b8: {  	[hbm4b:s7+s3] =	stream.linear.scatter [tilespmem:s1], [sflag:$0x8], $0x3200, $0x38;
	[tilespmem:$0x15E00] =	vst v63  }
0x2b9: {  	_ =	swait.ge [sflag:s23], $0x3200  }
0x2ba: {  	[sflag:s23] =	ssyncset.done $0x0  }
0x2bb: {  	[sflag:s23] =	ssyncadd.s32 $0xFFFFCE00  }
0x2bc: {  	_ =	swait.ge [sflag:s28], $0x3200  }
0x2bd: {  	[sflag:s28] =	ssyncset.done $0x0  }
0x2be: {  	[sflag:s28] =	ssyncadd.s32 $0xFFFFCE00  }
0x2bf: {  	_ =	swait.ge [sflag:s0], $0x3200  }
0x2c0: {  	[sflag:s0] =	ssyncset.done $0x0  }
0x2c1: {  	[sflag:s0] =	ssyncadd.s32 $0xFFFFCE00  }
0x2c2: {  	_ =	swait.ge [sflag:s6], $0x3200  }
0x2c3: {  	s8 =	rddreg [dreg:$0xa]  }
0x2c4: {  	s20 =	rddreg [dreg:$0x9];
	s8 =	sadd.s32 $0x1, s8  }
0x2c5: {  	p0 =	sne.s32 s8, s20  }
.Ltmp9:
0x2c6: {  	_ = 	snop;
	(pc) =	sbr.rel @p0 .LBB2_1-.Ltmp9, $3  }
0x2c7: {  	_ =	sdelay $0x1  }
0x2c8: {  	[sflag:s6] =	ssyncset.done $0x0  }
0x2c9: {  	[sflag:s6] =	ssyncadd.s32 $0xFFFFCE00  }
0x2ca: {  	_ =	sfence.sel $0x180000  }
0x2cb: {  	[bflag:$0x0] =	sbarrier.arrive $0xFFFF  }
0x2cc: {  	_ =	strace $0x90000047  }
0x2cd: {  	s0 =	stileid.u32;
	[bflag:$0x2] =	sbarrier.arrive $0xFFFF  }
0x2ce: {  	p0 =	sne.s32 s0, $0x0;
	s0 =	rddreg [dreg:$0x2]  }
0x2cf: {  	s0 =	sadd.s32 @!p0 $0x100000, s0  }
0x2d0: {  	[sflag:s0] =	ssyncadd.tile.s32 @!p0 $0x1;
	_ =	shalt  }
.Lfunc_end2:
_tile_overlayer_lowered:
.L_overlay_start_2:
0x2d1: {  	(tag) =	ssettag $0x2  }
0x2d2: {  	s0 =	rddreg [dreg:$0x0];
	s2 =	stileid.u32  }
0x2d3: {  	s1 =	rddreg [dreg:$0x1];
	p0 =	sne.s32 s2, $0x0  }
0x2d4: {  	s3 =	rddreg [dreg:$0x2];
	[bflag:$0x3] =	sbarrier.arrive $0xFFFF;
	s2 =	simm.s32 @!p0 $0x1C09  }
0x2d5: {  	[timem:s3], [sflag:s2] =	dma.local @!p0 [hbm:s0], s1  }
0x2d6: {  	s0 =	simm.s32 @!p0 $0x9  }
0x2d7: {  	_ =	swait.ge @!p0 [sflag:s0], s1  }
0x2d8: {  	s1 =	ssub.s32 @!p0 $0x0, s1;
	[sflag:s0] =	ssyncset.done @!p0 $0x0  }
0x2d9: {  	[sflag:s0] =	ssyncadd.s32 @!p0 s1  }
0x2da: {  	[bflag:$0x3] =	sbarrier.arrive $0xFFFF  }
0x2db: {  	_ =	shalt  }

// kernel: sparse-core-data-format-call.cloned.1.call-start
scs
called_computation_lowered:
.L_overlay_start_0:
0x0: {  	s2 =	sld [smem:$0x3FD9]  }
0x1: {  	s3 =	sld [smem:$0x3FFE];
	_ =	sdelay $0x1  }
0x2: {  	s1 =	srdreg.scid  }
0x3: {  	s0 =	sand.u32 $0x1, s1  }
0x4: {  	s18 =	sshll.u32 s0, $0xA;
	s2 =	sadd.s32 s3, s2  }
0x5: {  	s2 =	sadd.s32 s2, s18  }
0x6: {  	[smem:$0x3FC5] =	sst s2  }
0x7: {  	_ = 	snop  }
0x8: {  	s2 =	sld [smem:$0x3FD0];
	(tm) =	ssettm $0x1  }
0x9: {  	s19 =	sld [smem:$0x3FFB];
	_ =	sdelay $0x3  }
0xa: {  	_ =	strace s19  }
0xb: {  	s3 =	sld [smem:$0x3FFC];
	_ =	sdelay $0x3  }
0xc: {  	_ =	strace s3  }
0xd: {  	s3 =	sld [smem:$0x3FFD];
	_ =	sdelay $0x3  }
0xe: {  	_ =	strace s3  }
0xf: {  	_ =	strace $0x8FFFFFFF  }
0x10: {  	s20 =	sld [smem:$0x3FDB];
	_ =	sdelay $0x1  }
0x11: {  	s4 =	simm.s32 $_scs_section_size  }
0x12: {  	s5 =	simm.s32 $_size__tile_overlayer_lowered;
	s6 =	simm.s32 $_tile_overlayer_lowered  }
0x13: {  	s23 =	simm.s32 $0x1BFF;
	s22 =	sshll.u32 s6, $0x1;
	s3 =	sadd.s32 s4, s20  }
0x14: {  	s7 =	simm.s32 $0x0;
	s21 =	sshll.u32 s5, $0x1;
	s5 =	sadd.s32 s22, s3  }
0x15: {  	[timem:s7], [sflag:s23] =	dma.local [hbm:s5], s21  }
0x16: {  	_ =	swait.ge [sflag:s23], s21  }
0x17: {  	s4 =	ssub.s32 $0x0, s21;
	[sflag:s23] =	ssyncset.done $0x0  }
0x18: {  	[sflag:s23] =	ssyncadd.s32 s4;
	_ =	sdelay $0x1  }
0x19: {  	s24 =	simm.s32 $0x1B8B  }
0x1a: {  	_ =	swait.ge [sflag:s24], $0x1  }
0x1b: {  	[sflag:s24] =	ssyncset.done $0x0  }
0x1c: {  	s26 =	simm.s32 $0x1B8E;
	s25 =	sld [smem:$0x3FFE];
	[sflag:s24] =	ssyncadd.s32 $0xFFFFFFFF  }
0x1d: {  	s27 =	simm.s32 $execute0_lowered;
	[smem:$0x3FD2] =	sst s26  }
0x1e: {  	s5 =	sshll.u32 s27, $0x1;
	_ =	strace $0x80000049;
	[dreg:$0x1] =	wrdreg $0xFFFFFFFF  }
0x1f: {  	s28 =	simm.s32 $_size_execute0_lowered;
	s3 =	sadd.s32 s3, s5;
	[dreg:$0x0] =	wrdreg $0x0  }
0x20: {  	s5 =	sshll.u32 s28, $0x1;
	[dreg:$0x2] =	wrdreg s3  }
0x21: {  	[dreg:$0x3] =	wrdreg s5  }
0x22: {  	[dreg:$0x4] =	wrdreg $0xC0  }
0x23: {  	_ =	task [dreg:s7], $0x5FFFF  }
0x24: {  	[dreg:$0x1] =	wrdreg $0xFFFFFFFF  }
0x25: {  	[dreg:$0x0] =	wrdreg $0x60  }
0x26: {  	[dreg:$0x2] =	wrdreg s25  }
0x27: {  	[dreg:$0x3] =	wrdreg s2  }
0x28: {  	[dreg:$0x4] =	wrdreg $0x9  }
0x29: {  	_ =	task.clear_ibuf [dreg:s7], $0x5FFFF;
	_ =	strace $0x90000049  }
0x2a: {  	s29 =	simm.s32 $0x9;
	_ =	strace $0x8000004B  }
0x2b: {  	_ =	swait.ge [sflag:s29], $0x1  }
0x2c: {  	[sflag:s29] =	ssyncadd.s32 $0xFFFFFFFF  }
0x2d: {  	_ =	strace $0x9000004B  }
0x2e: {  	_ =	sfence  }
0x2f: {  	s30 =	sld [smem:$0x0];
	_ =	sdelay $0x2  }
0x30: {  	s31 =	sshll.u32 s1, $0xD;
	s1 =	sshrl.u32 s1, $0x2  }
0x31: {  	s3 =	sand.u32 $0x4000, s31;
	s1 =	sadd.s32 s1, s30  }
0x32: {  	s0 =	sor.u32 s3, s0;
	s1 =	sshll.u32 s1, $0x11  }
0x33: {  	s0 =	sor.u32 s1, s0  }
0x34: {  	s0 =	sadd.s32 $0x8F2B, s0  }
0x35: {  	[sflag:s0] =	ssyncadd.remote.s32 $0x1  }
0x36: {  	_ =	sfence.sel $0xFFFF  }
0x37: {  	[dreg:$0x0] =	wrdreg $0xFFFFFFFF;
	(pc) =	sbr.abs _section_cstart, $3  }
0x38: {  	[dreg:$0x1] =	wrdreg $0xFFFFFFFF  }
0x39: {  	_ =	task.clear_ibuf [dreg:s7], $0x2FFFF;
	_ =	strace $0x9FFFFFFF  }
0x3a: {  	(tm) =	ssettm $0x7FFFFFFF  }
0x3b: {  	_ =	shalt  }
tec
execute0_lowered:
.L_overlay_start_1:
0x0: {  	(tag) =	ssettag $0x1  }
0x1: {  	s0 =	srdreg.scid  }
0x2: {  	s1 =	sshll.u32 s0, $0x4  }
0x3: {  	s0 =	stileid.u32;
	s1 =	sand.u32 $0x10, s1  }
0x4: {  	s1 =	sor.u32 s0, s1  }
0x5: {  	s6 =	rddreg [dreg:$0x0];
	s4 =	simm.s32 $0x1;
	s2 =	sshll.u32 s1, $0x7  }
0x6: {  	s7 =	simm.s32 $0x2;
	s12 =	simm.s32 $0x0;
	s1 =	ssub.s32 $0x1000, s2  }
0x7: {  	s8 =	simm.s32 $0x8000;
	s13 =	simm.s32 $0x0;
	s3 =	sand.u32 $0xF80, s1  }
0x8: {  	s9 =	simm.s32 $0x0;
	s5 =	sshrl.u32 s1, $0xC;
	p0 =	sne.s32 s3, $0x0  }
.Ltmp0:
0x9: {  	s1 =	rddreg [dreg:$0x2];
	s4 =	simm.s32 @!p0 $0x0;
	(pc) =	sbr.rel .LBB1_1-.Ltmp0, $4  }
0xa: {  	s11 =	simm.s32 $0x0;
	s3 =	rddreg [dreg:$0x1];
	s5 =	sadd.s32 s4, s5  }
0xb: {  	_ =	strace $0x8000004A;
	s4 =	simm.s32 $0x1;
	s5 =	smul.u32 $0xC8, s5  }
0xc: {  	s6 =	sadd.s32 $0xC00, s6;
	s10 =	smov.u32 s2;
	[sflag:s4] =	ssyncpa.u1 $0x0  }
0xd: {  	p0 =	por $0x0, $0x0;
	[sflag:s7] =	ssyncpa.u1 $0x0;
	s7 =	sor.u32 $0x1, s5  }
.LBB1_4:
0xe: {  	s16 =	sshll.u32 s13, $0x3;
	s17 =	sand.u32 $0x78, s13  }
0xf: {  	s30 =	sand.u32 $0x7E00, s13;
	s12 =	sshll.u32 s12, $0xF;
	s16 =	sand.u32 $0xC00, s16  }
0x10: {  	[tilespmem:s15+$0x810 ss:$0x81] =	vst.msk $0xffff, v2;
	s31 =	sand.u32 $0x7, s13;
	s16 =	sor.u32 s17, s16;
	s17 =	sadd.s32 s3, s30  }
0x11: {  	[tilespmem:s15+$0x1020 ss:$0x81] =	vst.msk $0xffff, v0;
	s13 =	sshll.u32 s31, $0x12;
	s12 =	sadd.s32 s12, s17;
	s16 =	sshrl.u32 s16, $0x3  }
0x12: {  	[tilespmem:s15+$0x0 ss:$0x81] =	vst.msk $0xffff, v1;
	s13 =	sor.u32 $0x400, s13;
	s12 =	sadd.s32 s16, s12  }
0x13: {  	[hbm4b:s12+s13] =	stream.strided.scatter [tilespmem:s14], [sflag:$0x2], $0x2000, s8, s13, $0x20;
	[tilespmem:$0x8080] =	vst v63  }
.LBB1_5:
0x14: {  	s14 =	sadd.s32 $0x1, s9  }
0x15: {  	s12 =	sadd.s32 $0x1000, s10;
	s16 =	smov.u32 s10;
	p2 =	sgt.s32 s14, $0xC7  }
0x16: {  	s16 =	smov.u32 @p2 s12  }
0x17: {  	s14 =	simm.s32 @p2 $0x0;
	p2 =	sgt.s32 s16, $0xFFF  }
0x18: {  	s16 =	smov.u32 @p2 s2;
	p2 =	sne.s32 s11, s7  }
.Ltmp1:
0x19: {  	p1 =	slt.u32 s11, $0x2;
	(pc) =	sbr.rel @!p2 .LBB1_6-.Ltmp1, $4  }
0x1a: {  	s15 =	simm.s32 @!p1 $0x2  }
0x1b: {  	s13 =	smov.u32 s10;
	p0 =	por !p0, !p0;
	_ =	swait.ge @!p1 [sflag:s15], $0x2000  }
0x1c: {  	s12 =	smov.u32 s9;
	[sflag:s15] =	ssyncset.done @!p1 $0x0;
	s9 =	smov.u32 s14  }
0x1d: {  	s11 =	sadd.s32 $0x1, s11;
	[sflag:s15] =	ssyncadd.s32 @!p1 $0xFFFFE000;
	s10 =	smov.u32 s16  }
.LBB1_1:
0x1e: {  	p1 =	sge.u32 s11, s5  }
0x1f: {  	s14 =	sand.u32 @!p1 $0x1FFFFFF, s9  }
0x20: {  	s15 =	smulhi.u32 @!p1 $0x147AE15, s14;
	_ =	sdelay $0x1  }
0x21: {  	s15 =	smul.u32 @!p1 $0xC8, s15  }
0x22: {  	s16 =	sxor.u32 @!p1 $0xFFFFFFFF, s11;
	s17 =	smul.u32 @!p1 $0xC80, s10  }
0x23: {  	s31 =	sadd.s32 $0xFFFFFFFF, s11;
	s16 =	sshll.u32 @!p1 s16, $0xD;
	s14 =	ssub.s32 @!p1 s14, s15  }
0x24: {  	s15 =	sand.u32 @!p1 $0x2000, s16;
	s16 =	sadd.s32 @!p1 s6, s17;
	s14 =	sshll.u32 @!p1 s14, $0x4  }
0x25: {  	s17 =	simm.s32 @!p1 $0x6400;
	s14 =	sadd.s32 @!p1 s14, s16;
	s16 =	simm.s32 @!p1 $0x40  }
0x26: {  	[tilespmem:s15], [sflag:$0x1] =	stream.strided.gather @!p1 [hbm4b:s14+s16], $0x2000, s17, s16, $0x38;
	[tilespmem:$0x8080] =	vst v63  }
0x27: {  	p1 =	sge.u32 s31, s5  }
.Ltmp2:
0x28: {  	_ = 	snop;
	(pc) =	sbr.rel @p1 .LBB1_5-.Ltmp2, $1  }
0x29: {  	_ =	sdelay $0x3  }
0x2a: {  	s14 =	simm.s32 $0x1  }
0x2b: {  	_ =	swait.ge [sflag:s4], $0x2000;
	s14 =	simm.s32 @!p0 $0x0  }
0x2c: {  	[sflag:s4] =	ssyncset.done $0x0;
	s15 =	sshll.u32 s14, $0xD  }
0x2d: {  	[sflag:s4] =	ssyncadd.s32 $0xFFFFE000;
	s18 =	sor.u32 $0x20, s15  }
0x2e: {  	s14 =	smul.u32 $0x8100, s14;
	v3 =	vld [tilespmem:s18+$0x10]  }
0x2f: {  	s30 =	sand.u32 $0x1, s11;
	v2 =	vld [tilespmem:s18+$0xFFFFFFF0]  }
0x30: {  	s15 =	smul.u32 $0x8100, s30;
	s14 =	sshrl.u32 s14, $0x2;
	v0 =	vld [tilespmem:s18+$0x0]  }
0x31: {  	v1 =	vld [tilespmem:s18+$0xFFFFFFE0];
	s16 =	sor.u32 $0x4000, s14  }
0x32: {  	s31 =	sshrl.u32 s15, $0x2;
	s15 =	sadd.s32 $0x0, s16  }
0x33: {  	s17 =	simm.s32 $0x4;
	s18 =	sadd.s32 $0x40, s18;
	s14 =	sor.u32 $0x4000, s31;
	[tilespmem:s15+$0x1830 ss:$0x81] =	vst.msk $0xffff, v3  }
.LBB1_3:
0x34: {  	v3 =	vld [tilespmem:s18+$0x10];
	p1 =	sne.s32 s17, $0x1FC;
	[tilespmem:s15+$0x810 ss:$0x81] =	vst.msk $0xffff, v2;
	s19 =	smov.u32 s17;
	s17 =	sadd.s32 $0x4, s17  }
.Ltmp3:
0x35: {  	v2 =	vld [tilespmem:s18+$0xFFFFFFF0];
	[tilespmem:s15+$0x1020 ss:$0x81] =	vst.msk $0xffff, v0;
	(pc) =	sbr.rel @p1 .LBB1_3-.Ltmp3, $4  }
0x36: {  	v0 =	vld [tilespmem:s18+$0x0];
	[tilespmem:s15+$0x0 ss:$0x81] =	vst.msk $0xffff, v1  }
0x37: {  	s15 =	sshra.s32 s19, $0x2;
	v1 =	vld [tilespmem:s18+$0xFFFFFFE0]  }
0x38: {  	s15 =	sadd.s32 s15, s16  }
0x39: {  	s18 =	sadd.s32 $0x40, s18;
	[tilespmem:s15+$0x1830 ss:$0x81] =	vst.msk $0xffff, v3  }
.Ltmp4:
0x3a: {  	_ = 	snop;
	(pc) =	sbr.rel .LBB1_4-.Ltmp4, $1  }
0x3b: {  	_ =	sdelay $0x3  }
.LBB1_6:
0x3c: {  	_ =	sfence.sel $0x180000  }
0x3d: {  	s2 =	simm.s32 $0x1;
	[bflag:$0x0] =	sbarrier.arrive $0xFFFF  }
0x3e: {  	s31 =	simm.s32 $0x2;
	[sflag:s2] =	ssyncpa.u1 $0x1  }
0x3f: {  	[sflag:s31] =	ssyncpa.u1 $0x1  }
0x40: {  	p0 =	sne.s32 s0, $0x0;
	_ =	strace $0x9000004A  }
0x41: {  	s0 =	sadd.s32 @!p0 $0x100000, s1;
	[bflag:$0x2] =	sbarrier.arrive $0xFFFF  }
0x42: {  	[sflag:s0] =	ssyncadd.tile.s32 @!p0 $0x1;
	_ =	shalt  }
.Lfunc_end1:
_tile_overlayer_lowered:
.L_overlay_start_2:
0x43: {  	(tag) =	ssettag $0x2  }
0x44: {  	s0 =	rddreg [dreg:$0x0];
	s2 =	stileid.u32  }
0x45: {  	s1 =	rddreg [dreg:$0x1];
	p0 =	sne.s32 s2, $0x0  }
0x46: {  	s3 =	rddreg [dreg:$0x2];
	[bflag:$0x3] =	sbarrier.arrive $0xFFFF;
	s2 =	simm.s32 @!p0 $0x1C01  }
0x47: {  	[timem:s3], [sflag:s2] =	dma.local @!p0 [hbm:s0], s1  }
0x48: {  	s0 =	simm.s32 @!p0 $0x1  }
0x49: {  	_ =	swait.ge @!p0 [sflag:s0], s1  }
0x4a: {  	s1 =	ssub.s32 @!p0 $0x0, s1;
	[sflag:s0] =	ssyncset.done @!p0 $0x0  }
0x4b: {  	[sflag:s0] =	ssyncadd.s32 @!p0 s1  }
0x4c: {  	[bflag:$0x3] =	sbarrier.arrive $0xFFFF  }
0x4d: {  	_ =	shalt  }

</sc_bundles>
